<compile_context>
chip_gen: v7x
topology: tpu7x:2x2x1
jax: 0.10.2.dev20260603
libtpu: 0.0.44.dev20260713+nightly
codegen_flags: <defaults>
</compile_context>

<pallas_src>
import functools

import jax
import jax.numpy as jnp
from jax import lax
from jax.experimental import pallas as pl
from jax.experimental.pallas import tpu as pltpu
from jax.experimental.pallas import tpu_sc as plsc

_N = 10000
_NP = 10240
_D = 128
_E = 320000
_Z = 64

_NC = 2
_NS = 16
_NW = _NC * _NS
_EPW = _E // _NW
_CH = 64
_EPWP = 10176
_NCHUNK = _EPWP // _CH
_RPT = _NP // _NS

_mesh = plsc.VectorSubcoreMesh(core_axis_name="c", subcore_axis_name="s")


@functools.partial(
    pl.kernel,
    mesh=_mesh,
    out_type=jax.ShapeDtypeStruct((_NC, _NP, _D), jnp.float32),
    scratch_types=[
        pltpu.VMEM((_NCHUNK, _CH), jnp.int32),
        pltpu.VMEM((_CH, _D), jnp.float32),
        pltpu.VMEM_SHARED((_NP, _D), jnp.float32),
    ],
)
def _deg_kernel(dst_hbm, ones_hbm, zeros_hbm, out_hbm, dst_v, ones_v, deg_sh):
    c = lax.axis_index("c")
    s = lax.axis_index("s")
    wid = s * _NC + c
    row0 = s * _RPT
    pltpu.sync_copy(dst_hbm.at[wid], dst_v)
    pltpu.sync_copy(ones_hbm, ones_v)
    pltpu.sync_copy(zeros_hbm.at[pl.ds(row0, _RPT)], deg_sh.at[pl.ds(row0, _RPT)])
    plsc.subcore_barrier()

    def body(j, carry):
        pltpu.sync_copy(ones_v, deg_sh.at[dst_v.at[j]], add=True)
        return carry

    lax.fori_loop(0, _NCHUNK, body, 0)
    plsc.subcore_barrier()
    pltpu.sync_copy(deg_sh.at[pl.ds(row0, _RPT)], out_hbm.at[c, pl.ds(row0, _RPT)])


@functools.partial(
    pl.kernel,
    mesh=_mesh,
    out_type=jax.ShapeDtypeStruct((_NC, _NP, _D), jnp.float32),
    scratch_types=[
        [pltpu.VMEM((1, _CH), jnp.int32) for _ in range(3)],
        pltpu.VMEM((_NCHUNK, _CH), jnp.int32),
        [pltpu.VMEM((_CH, _D), jnp.float32) for _ in range(3)],
        pltpu.VMEM_SHARED((_NP, _D), jnp.float32),
        [pltpu.SemaphoreType.DMA for _ in range(3)],
        [pltpu.SemaphoreType.DMA for _ in range(3)],
        [pltpu.SemaphoreType.DMA for _ in range(3)],
    ],
)
def _prop_kernel(feats_hbm, src_hbm, dst_hbm, zeros_hbm, out_hbm,
                 si, dst_v, rows, agg_sh, sem_i, sem_g, sem_s):
    c = lax.axis_index("c")
    s = lax.axis_index("s")
    wid = s * _NC + c
    row0 = s * _RPT
    pltpu.sync_copy(dst_hbm.at[wid], dst_v)
    pltpu.sync_copy(zeros_hbm.at[pl.ds(row0, _RPT)], agg_sh.at[pl.ds(row0, _RPT)])
    plsc.subcore_barrier()

    def _fetch_idx(j, b):
        pltpu.async_copy(src_hbm.at[wid, pl.ds(j, 1)], si[b], sem_i[b])

    def _wait_idx(j, b):
        pltpu.make_async_copy(src_hbm.at[wid, pl.ds(j, 1)], si[b],
                              sem_i[b]).wait()

    def _gather(b):
        pltpu.async_copy(feats_hbm.at[si[b].at[0]], rows[b], sem_g[b])

    def _wait_gather(b):
        pltpu.make_async_copy(feats_hbm.at[si[b].at[0]], rows[b],
                              sem_g[b]).wait()

    def _scat(j, b):
        pltpu.async_copy(rows[b], agg_sh.at[dst_v.at[j]], sem_s[b],
                         add=True)

    def _wait_scat(j, b):
        pltpu.make_async_copy(rows[b], agg_sh.at[dst_v.at[j]],
                              sem_s[b]).wait()

    for b in range(3):
        _fetch_idx(b, b)
    _wait_idx(0, 0)
    _gather(0)

    def body(i, carry):
        for b in range(3):
            j = i * 3 + b
            bn = (b + 1) % 3
            jn = j + 1

            _wait_gather(b)

            @pl.when(j + 3 < _NCHUNK)
            def _():
                _fetch_idx(j + 3, b)

            _scat(j, b)

            @pl.when(jn < _NCHUNK)
            def _():
                @pl.when(jn >= 3)
                def _():
                    _wait_scat(jn - 3, bn)
                _wait_idx(jn, bn)
                _gather(bn)
        return carry

    lax.fori_loop(0, _NCHUNK // 3, body, 0)
    for b in range(3):
        _wait_scat(_NCHUNK - 3 + b, b)
    plsc.subcore_barrier()
    pltpu.sync_copy(agg_sh.at[pl.ds(row0, _RPT)], out_hbm.at[c, pl.ds(row0, _RPT)])


_BT = 1024


def _scale_body(x_ref, degp_ref, xs_ref, invs_ref, invd_ref):
    deg = degp_ref[0, :, 0:1] + degp_ref[1, :, 0:1] + 1.0
    invs = lax.rsqrt(deg)
    invd = 1.0 / deg
    xs_ref[...] = x_ref[...] * invs
    invs_ref[...] = jnp.broadcast_to(invs, (_BT, 8))
    invd_ref[...] = jnp.broadcast_to(invd, (_BT, 8))


def _hidden_body(x_ref, agg_ref, invs_ref, invd_ref, w_ref, b_ref,
                 hid_ref, hs_ref):
    invs = invs_ref[:, 0:1]
    invd = invd_ref[:, 0:1]
    prop = (agg_ref[0] + agg_ref[1]) * invs + x_ref[...] * invd
    h = jnp.dot(prop, w_ref[...], preferred_element_type=jnp.float32,
                precision=lax.Precision.HIGHEST)
    h = jnp.maximum(h + b_ref[...], 0.0)
    hid_ref[...] = h
    hs_ref[...] = h * invs


def _head_body(hid_ref, agg_ref, invs_ref, invd_ref, w_ref, b_ref,
               mu_ref, lv_ref):
    invs = invs_ref[:, 0:1]
    invd = invd_ref[:, 0:1]
    prop = (agg_ref[0] + agg_ref[1]) * invs + hid_ref[...] * invd
    o = jnp.dot(prop, w_ref[...], preferred_element_type=jnp.float32,
                precision=lax.Precision.HIGHEST) + b_ref[...]
    mu_ref[...] = o[:, :_Z]
    lv_ref[...] = o[:, _Z:]


def _scale_call(x, degp):
    return pl.pallas_call(
        _scale_body,
        grid=(_NP // _BT,),
        in_specs=[
            pl.BlockSpec((_BT, _D), lambda i: (i, 0)),
            pl.BlockSpec((_NC, _BT, _D), lambda i: (0, i, 0)),
        ],
        out_specs=[
            pl.BlockSpec((_BT, _D), lambda i: (i, 0)),
            pl.BlockSpec((_BT, 8), lambda i: (i, 0)),
            pl.BlockSpec((_BT, 8), lambda i: (i, 0)),
        ],
        out_shape=[
            jax.ShapeDtypeStruct((_NP, _D), jnp.float32),
            jax.ShapeDtypeStruct((_NP, 8), jnp.float32),
            jax.ShapeDtypeStruct((_NP, 8), jnp.float32),
        ],
    )(x, degp)


def _hidden_call(x, agg, invs8, invd8, w, b):
    return pl.pallas_call(
        _hidden_body,
        grid=(_NP // _BT,),
        in_specs=[
            pl.BlockSpec((_BT, _D), lambda i: (i, 0)),
            pl.BlockSpec((_NC, _BT, _D), lambda i: (0, i, 0)),
            pl.BlockSpec((_BT, 8), lambda i: (i, 0)),
            pl.BlockSpec((_BT, 8), lambda i: (i, 0)),
            pl.BlockSpec((_D, _D), lambda i: (0, 0)),
            pl.BlockSpec((1, _D), lambda i: (0, 0)),
        ],
        out_specs=[
            pl.BlockSpec((_BT, _D), lambda i: (i, 0)),
            pl.BlockSpec((_BT, _D), lambda i: (i, 0)),
        ],
        out_shape=[
            jax.ShapeDtypeStruct((_NP, _D), jnp.float32),
            jax.ShapeDtypeStruct((_NP, _D), jnp.float32),
        ],
    )(x, agg, invs8, invd8, w, b)


def _head_call(hid, agg, invs8, invd8, w, b):
    return pl.pallas_call(
        _head_body,
        grid=(_NP // _BT,),
        in_specs=[
            pl.BlockSpec((_BT, _D), lambda i: (i, 0)),
            pl.BlockSpec((_NC, _BT, _D), lambda i: (0, i, 0)),
            pl.BlockSpec((_BT, 8), lambda i: (i, 0)),
            pl.BlockSpec((_BT, 8), lambda i: (i, 0)),
            pl.BlockSpec((_D, _D), lambda i: (0, 0)),
            pl.BlockSpec((1, _D), lambda i: (0, 0)),
        ],
        out_specs=[
            pl.BlockSpec((_BT, _Z), lambda i: (i, 0)),
            pl.BlockSpec((_BT, _Z), lambda i: (i, 0)),
        ],
        out_shape=[
            jax.ShapeDtypeStruct((_NP, _Z), jnp.float32),
            jax.ShapeDtypeStruct((_NP, _Z), jnp.float32),
        ],
    )(hid, agg, invs8, invd8, w, b)


def kernel(x, edge_index, W_h, b_h, W_mu, b_mu, W_std, b_std):
    src2 = jnp.pad(edge_index[0].reshape(_NW, _EPW), ((0, 0), (0, _EPWP - _EPW)),
                   constant_values=_N)
    dst2 = jnp.pad(edge_index[1].reshape(_NW, _EPW), ((0, 0), (0, _EPWP - _EPW)),
                   constant_values=_N)
    src3 = src2.reshape(_NW, _NCHUNK, _CH)
    dst3 = dst2.reshape(_NW, _NCHUNK, _CH)
    xp = jnp.zeros((_NP, _D), jnp.float32).at[:_N].set(x)
    zeros_nd = jnp.zeros((_NP, _D), jnp.float32)
    ones_chd = jnp.ones((_CH, _D), jnp.float32)

    degp = _deg_kernel(dst3, ones_chd, zeros_nd)
    xs, invs8, invd8 = _scale_call(xp, degp)
    agg1 = _prop_kernel(xs, src3, dst3, zeros_nd)
    hidden, hs = _hidden_call(xp, agg1, invs8, invd8, W_h, b_h.reshape(1, _D))
    agg2 = _prop_kernel(hs, src3, dst3, zeros_nd)
    w_cat = jnp.concatenate([W_mu, W_std], axis=1)
    b_cat = jnp.concatenate([b_mu, b_std]).reshape(1, _D)
    mu, logvar = _head_call(hidden, agg2, invs8, invd8, w_cat, b_cat)
    return (mu[:_N], logvar[:_N])

# --- scband reference (transcript-rebuilt; emitter-appended) ---
"""Pipeline reference for scband-encoder-5196910428694 (READ-ONLY COPY).

The authoritative reference and input builder live on the scoring server;
editing this copy changes nothing except your own understanding.
"""

import jax, jax.numpy as jnp
import numpy as np

N = 10000
E = 320000
D = 128
H = 128
Z = 64


def setup_inputs(seed: int = 0) -> dict:
    key = jax.random.key(seed)
    ks = jax.random.split(key, 8)
    x = jax.random.normal(ks[0], (N, D), dtype=jnp.float32)
    edge_index = jax.random.randint(ks[1], (2, E), 0, N, dtype=jnp.int32)
    W_h = jax.random.normal(ks[2], (D, H), dtype=jnp.float32) * 0.05
    b_h = jnp.zeros((H,), dtype=jnp.float32)
    W_mu = jax.random.normal(ks[3], (H, Z), dtype=jnp.float32) * 0.05
    b_mu = jnp.zeros((Z,), dtype=jnp.float32)
    W_std = jax.random.normal(ks[4], (H, Z), dtype=jnp.float32) * 0.05
    b_std = jnp.zeros((Z,), dtype=jnp.float32)
    return {"x": x, "edge_index": edge_index, "W_h": W_h, "b_h": b_h,
            "W_mu": W_mu, "b_mu": b_mu, "W_std": W_std, "b_std": b_std}


def _gcn_conv(x, src, dst, W, b):
    # GCNConv with implicit self-loops and symmetric normalization.
    n = x.shape[0]
    h = x @ W
    deg = jnp.zeros((n,), dtype=x.dtype).at[dst].add(1.0) + 1.0  # +1 for self-loop
    inv_sqrt = jax.lax.rsqrt(deg)
    # gather from src, normalize per-edge by 1/sqrt(d_src)
    msg = h[src] * inv_sqrt[src][:, None]
    # scatter-add to dst
    agg = jnp.zeros_like(h).at[dst].add(msg)
    # normalize by 1/sqrt(d_dst) and add self-loop term
    out = agg * inv_sqrt[:, None] + h * (inv_sqrt * inv_sqrt)[:, None]
    return out + b


def reference(x, edge_index, W_h, b_h, W_mu, b_mu, W_std, b_std):
    # Encoder.forward: data.edge_attr is None, so encode() runs the
    # no-edge-attr path: hidden -> mean, std (VGAE-style two-headed encoder).
    src = edge_index[0]
    dst = edge_index[1]
    hidden = jax.nn.relu(_gcn_conv(x, src, dst, W_h, b_h))
    mu = _gcn_conv(hidden, src, dst, W_mu, b_mu)
    logvar = _gcn_conv(hidden, src, dst, W_std, b_std)
    return (mu, logvar)

if __name__ == "__main__":
    import jax
    _d = setup_inputs()
    print(jax.jit(kernel)(*tuple(_d.values())))

</pallas_src>

<mosaic_0001>
#map = affine_map<(d0, d1) -> (0, 0)>
#map1 = affine_map<(d0, d1) -> (0, 0, 0)>
module attributes {stable_mosaic.version = 14 : i64} {
  func.func @_prop_kernel(%arg0: i32, %arg1: i32, %arg2: memref<10240x128xf32, #tpu.memory_space<hbm>>, %arg3: memref<32x159x64xi32, #tpu.memory_space<hbm>>, %arg4: memref<32x159x64xi32, #tpu.memory_space<hbm>>, %arg5: memref<10240x128xf32, #tpu.memory_space<hbm>>, %arg6: memref<2x10240x128xf32, #tpu.memory_space<hbm>>, %arg7: memref<1x64xi32, #tpu.memory_space<vmem>>, %arg8: memref<1x64xi32, #tpu.memory_space<vmem>>, %arg9: memref<1x64xi32, #tpu.memory_space<vmem>>, %arg10: memref<159x64xi32, #tpu.memory_space<vmem>>, %arg11: memref<64x128xf32, #tpu.memory_space<vmem>>, %arg12: memref<64x128xf32, #tpu.memory_space<vmem>>, %arg13: memref<64x128xf32, #tpu.memory_space<vmem>>, %arg14: memref<10240x128xf32, #tpu.memory_space<vmem_shared>>, %arg15: memref<!tpu.dma_semaphore, #tpu.memory_space<semaphore_mem>>, %arg16: memref<!tpu.dma_semaphore, #tpu.memory_space<semaphore_mem>>, %arg17: memref<!tpu.dma_semaphore, #tpu.memory_space<semaphore_mem>>, %arg18: memref<!tpu.dma_semaphore, #tpu.memory_space<semaphore_mem>>, %arg19: memref<!tpu.dma_semaphore, #tpu.memory_space<semaphore_mem>>, %arg20: memref<!tpu.dma_semaphore, #tpu.memory_space<semaphore_mem>>, %arg21: memref<!tpu.dma_semaphore, #tpu.memory_space<semaphore_mem>>, %arg22: memref<!tpu.dma_semaphore, #tpu.memory_space<semaphore_mem>>, %arg23: memref<!tpu.dma_semaphore, #tpu.memory_space<semaphore_mem>>) attributes {dimension_semantics = [#tpu.dimension_semantics<core_parallel>, #tpu.dimension_semantics<subcore_parallel>], iteration_bounds = array<i64: 2, 16>, scalar_prefetch = 0 : i64, scratch_operands = 17 : i64, tpu.core_type = #tpu.core_type<sc_vector_subcore>, window_params = [{transform_indices = #map}, {transform_indices = #map1}, {transform_indices = #map1}, {transform_indices = #map}, {transform_indices = #map1}]} {
    %mul3A = arith.constant 2 : i32
    %mul3A_0 = arith.muli %arg1, %mul3A : i32
    %add3A = arith.addi %mul3A_0, %arg0 : i32
    %mul3A_1 = arith.constant 640 : i32
    %mul3A_2 = arith.muli %arg1, %mul3A_1 : i32
    "tpu.region"() ({
      %run_scoped3A = tpu.sem_alloc : memref<!tpu.dma_semaphore, #tpu.memory_space<semaphore_mem>>
      %dma_start3A_67 = arith.constant 0 : i32
      %dma_start3A_68 = arith.constant 0 : i32
      %dma_start3A_69 = tpu.memref_slice %arg4[%add3A, %dma_start3A_67, %dma_start3A_68] : memref<32x159x64xi32, #tpu.memory_space<hbm>> -> memref<1x159x64xi32, #tpu.memory_space<hbm>>
      %dma_start3A_70 = tpu.memref_squeeze %dma_start3A_69 : memref<1x159x64xi32, #tpu.memory_space<hbm>> -> memref<159x64xi32, #tpu.memory_space<hbm>>
      %dma_start3A_71 = arith.constant 0 : i32
      %dma_start3A_72 = arith.constant 0 : i32
      %dma_start3A_73 = tpu.memref_slice %arg4[%add3A, %dma_start3A_71, %dma_start3A_72] : memref<32x159x64xi32, #tpu.memory_space<hbm>> -> memref<1x159x64xi32, #tpu.memory_space<hbm>>
      %dma_start3A_74 = tpu.memref_squeeze %dma_start3A_73 : memref<1x159x64xi32, #tpu.memory_space<hbm>> -> memref<159x64xi32, #tpu.memory_space<hbm>>
      tpu.enqueue_dma source(%dma_start3A_74 : memref<159x64xi32, #tpu.memory_space<hbm>>) target(%arg10 : memref<159x64xi32, #tpu.memory_space<vmem>>) target_semaphore(%run_scoped3A : memref<!tpu.dma_semaphore, #tpu.memory_space<semaphore_mem>>)
      %dma_wait3A_75 = arith.constant 0 : i32
      %dma_wait3A_76 = arith.constant 0 : i32
      %dma_wait3A_77 = tpu.memref_slice %arg4[%add3A, %dma_wait3A_75, %dma_wait3A_76] : memref<32x159x64xi32, #tpu.memory_space<hbm>> -> memref<1x159x64xi32, #tpu.memory_space<hbm>>
      %dma_wait3A_78 = tpu.memref_squeeze %dma_wait3A_77 : memref<1x159x64xi32, #tpu.memory_space<hbm>> -> memref<159x64xi32, #tpu.memory_space<hbm>>
      %dma_wait3A_79 = arith.constant 0 : i32
      %dma_wait3A_80 = arith.constant 0 : i32
      %dma_wait3A_81 = tpu.memref_slice %arg4[%add3A, %dma_wait3A_79, %dma_wait3A_80] : memref<32x159x64xi32, #tpu.memory_space<hbm>> -> memref<1x159x64xi32, #tpu.memory_space<hbm>>
      %dma_wait3A_82 = tpu.memref_squeeze %dma_wait3A_81 : memref<1x159x64xi32, #tpu.memory_space<hbm>> -> memref<159x64xi32, #tpu.memory_space<hbm>>
      tpu.wait_dma2 semaphore(%run_scoped3A : memref<!tpu.dma_semaphore, #tpu.memory_space<semaphore_mem>>) src(%dma_wait3A_82 : memref<159x64xi32, #tpu.memory_space<hbm>>) dst(%arg10 : memref<159x64xi32, #tpu.memory_space<vmem>>)
      tpu.yield
    }) : () -> ()
    "tpu.region"() ({
      %run_scoped3A = tpu.sem_alloc : memref<!tpu.dma_semaphore, #tpu.memory_space<semaphore_mem>>
      %dma_start3A_67 = arith.constant 0 : i32
      %dma_start3A_68 = tpu.memref_slice %arg14[%mul3A_2, %dma_start3A_67] : memref<10240x128xf32, #tpu.memory_space<vmem_shared>> -> memref<640x128xf32, #tpu.memory_space<vmem_shared>>
      %dma_start3A_69 = arith.constant 0 : i32
      %dma_start3A_70 = tpu.memref_slice %arg5[%mul3A_2, %dma_start3A_69] : memref<10240x128xf32, #tpu.memory_space<hbm>> -> memref<640x128xf32, #tpu.memory_space<hbm>>
      tpu.enqueue_dma source(%dma_start3A_70 : memref<640x128xf32, #tpu.memory_space<hbm>>) target(%dma_start3A_68 : memref<640x128xf32, #tpu.memory_space<vmem_shared>>) target_semaphore(%run_scoped3A : memref<!tpu.dma_semaphore, #tpu.memory_space<semaphore_mem>>)
      %dma_wait3A_71 = arith.constant 0 : i32
      %dma_wait3A_72 = tpu.memref_slice %arg14[%mul3A_2, %dma_wait3A_71] : memref<10240x128xf32, #tpu.memory_space<vmem_shared>> -> memref<640x128xf32, #tpu.memory_space<vmem_shared>>
      %dma_wait3A_73 = arith.constant 0 : i32
      %dma_wait3A_74 = tpu.memref_slice %arg5[%mul3A_2, %dma_wait3A_73] : memref<10240x128xf32, #tpu.memory_space<hbm>> -> memref<640x128xf32, #tpu.memory_space<hbm>>
      tpu.wait_dma2 semaphore(%run_scoped3A : memref<!tpu.dma_semaphore, #tpu.memory_space<semaphore_mem>>) src(%dma_wait3A_74 : memref<640x128xf32, #tpu.memory_space<hbm>>) dst(%dma_wait3A_72 : memref<640x128xf32, #tpu.memory_space<vmem_shared>>)
      tpu.yield
    }) : () -> ()
    %barrier3A = arith.constant 0 : index
    tpu.barrier barrier_id(%barrier3A)
    %dma_start3A = arith.constant 0 : i32
    %dma_start3A_3 = arith.constant 0 : i32
    %dma_start3A_4 = tpu.memref_slice %arg3[%add3A, %dma_start3A, %dma_start3A_3] : memref<32x159x64xi32, #tpu.memory_space<hbm>> -> memref<1x1x64xi32, #tpu.memory_space<hbm>>
    %dma_start3A_5 = tpu.memref_squeeze %dma_start3A_4 : memref<1x1x64xi32, #tpu.memory_space<hbm>> -> memref<1x64xi32, #tpu.memory_space<hbm>>
    %dma_start3A_6 = arith.constant 0 : i32
    %dma_start3A_7 = arith.constant 0 : i32
    %dma_start3A_8 = tpu.memref_slice %arg3[%add3A, %dma_start3A_6, %dma_start3A_7] : memref<32x159x64xi32, #tpu.memory_space<hbm>> -> memref<1x1x64xi32, #tpu.memory_space<hbm>>
    %dma_start3A_9 = tpu.memref_squeeze %dma_start3A_8 : memref<1x1x64xi32, #tpu.memory_space<hbm>> -> memref<1x64xi32, #tpu.memory_space<hbm>>
    tpu.enqueue_dma source(%dma_start3A_9 : memref<1x64xi32, #tpu.memory_space<hbm>>) target(%arg7 : memref<1x64xi32, #tpu.memory_space<vmem>>) target_semaphore(%arg15 : memref<!tpu.dma_semaphore, #tpu.memory_space<semaphore_mem>>)
    %dma_start3A_10 = arith.constant 1 : i32
    %dma_start3A_11 = arith.constant 0 : i32
    %dma_start3A_12 = tpu.memref_slice %arg3[%add3A, %dma_start3A_10, %dma_start3A_11] : memref<32x159x64xi32, #tpu.memory_space<hbm>> -> memref<1x1x64xi32, #tpu.memory_space<hbm>>
    %dma_start3A_13 = tpu.memref_squeeze %dma_start3A_12 : memref<1x1x64xi32, #tpu.memory_space<hbm>> -> memref<1x64xi32, #tpu.memory_space<hbm>>
    %dma_start3A_14 = arith.constant 1 : i32
    %dma_start3A_15 = arith.constant 0 : i32
    %dma_start3A_16 = tpu.memref_slice %arg3[%add3A, %dma_start3A_14, %dma_start3A_15] : memref<32x159x64xi32, #tpu.memory_space<hbm>> -> memref<1x1x64xi32, #tpu.memory_space<hbm>>
    %dma_start3A_17 = tpu.memref_squeeze %dma_start3A_16 : memref<1x1x64xi32, #tpu.memory_space<hbm>> -> memref<1x64xi32, #tpu.memory_space<hbm>>
    tpu.enqueue_dma source(%dma_start3A_17 : memref<1x64xi32, #tpu.memory_space<hbm>>) target(%arg8 : memref<1x64xi32, #tpu.memory_space<vmem>>) target_semaphore(%arg16 : memref<!tpu.dma_semaphore, #tpu.memory_space<semaphore_mem>>)
    %dma_start3A_18 = arith.constant 2 : i32
    %dma_start3A_19 = arith.constant 0 : i32
    %dma_start3A_20 = tpu.memref_slice %arg3[%add3A, %dma_start3A_18, %dma_start3A_19] : memref<32x159x64xi32, #tpu.memory_space<hbm>> -> memref<1x1x64xi32, #tpu.memory_space<hbm>>
    %dma_start3A_21 = tpu.memref_squeeze %dma_start3A_20 : memref<1x1x64xi32, #tpu.memory_space<hbm>> -> memref<1x64xi32, #tpu.memory_space<hbm>>
    %dma_start3A_22 = arith.constant 2 : i32
    %dma_start3A_23 = arith.constant 0 : i32
    %dma_start3A_24 = tpu.memref_slice %arg3[%add3A, %dma_start3A_22, %dma_start3A_23] : memref<32x159x64xi32, #tpu.memory_space<hbm>> -> memref<1x1x64xi32, #tpu.memory_space<hbm>>
    %dma_start3A_25 = tpu.memref_squeeze %dma_start3A_24 : memref<1x1x64xi32, #tpu.memory_space<hbm>> -> memref<1x64xi32, #tpu.memory_space<hbm>>
    tpu.enqueue_dma source(%dma_start3A_25 : memref<1x64xi32, #tpu.memory_space<hbm>>) target(%arg9 : memref<1x64xi32, #tpu.memory_space<vmem>>) target_semaphore(%arg17 : memref<!tpu.dma_semaphore, #tpu.memory_space<semaphore_mem>>)
    %dma_wait3A = arith.constant 0 : i32
    %dma_wait3A_26 = arith.constant 0 : i32
    %dma_wait3A_27 = tpu.memref_slice %arg3[%add3A, %dma_wait3A, %dma_wait3A_26] : memref<32x159x64xi32, #tpu.memory_space<hbm>> -> memref<1x1x64xi32, #tpu.memory_space<hbm>>
    %dma_wait3A_28 = tpu.memref_squeeze %dma_wait3A_27 : memref<1x1x64xi32, #tpu.memory_space<hbm>> -> memref<1x64xi32, #tpu.memory_space<hbm>>
    %dma_wait3A_29 = arith.constant 0 : i32
    %dma_wait3A_30 = arith.constant 0 : i32
    %dma_wait3A_31 = tpu.memref_slice %arg3[%add3A, %dma_wait3A_29, %dma_wait3A_30] : memref<32x159x64xi32, #tpu.memory_space<hbm>> -> memref<1x1x64xi32, #tpu.memory_space<hbm>>
    %dma_wait3A_32 = tpu.memref_squeeze %dma_wait3A_31 : memref<1x1x64xi32, #tpu.memory_space<hbm>> -> memref<1x64xi32, #tpu.memory_space<hbm>>
    tpu.wait_dma2 semaphore(%arg15 : memref<!tpu.dma_semaphore, #tpu.memory_space<semaphore_mem>>) src(%dma_wait3A_32 : memref<1x64xi32, #tpu.memory_space<hbm>>) dst(%arg7 : memref<1x64xi32, #tpu.memory_space<vmem>>)
    %dma_start3A_33 = arith.constant 0 : i32
    %dma_start3A_34 = arith.constant 0 : i32
    %dma_start3A_35 = tpu.memref_slice %arg7[%dma_start3A_33, %dma_start3A_34] : memref<1x64xi32, #tpu.memory_space<vmem>> -> memref<1x64xi32, #tpu.memory_space<vmem>>
    %dma_start3A_36 = tpu.memref_squeeze %dma_start3A_35 : memref<1x64xi32, #tpu.memory_space<vmem>> -> memref<64xi32, #tpu.memory_space<vmem>>
    %dma_start3A_37 = arith.constant 0 : i32
    %dma_start3A_38 = arith.constant 0 : i32
    %dma_start3A_39 = tpu.memref_slice %arg2[%dma_start3A_37, %dma_start3A_38] : memref<10240x128xf32, #tpu.memory_space<hbm>> -> memref<10240x128xf32, #tpu.memory_space<hbm>>
    tpu.enqueue_indirect_dma source(%dma_start3A_39 : memref<10240x128xf32, #tpu.memory_space<hbm>>) target(%arg11 : memref<64x128xf32, #tpu.memory_space<vmem>>) offsets(%dma_start3A_36 : memref<64xi32, #tpu.memory_space<vmem>>) semaphore(%arg18 : memref<!tpu.dma_semaphore, #tpu.memory_space<semaphore_mem>>)
    %scan3A = arith.constant 0 : i32
    %scan3A_40 = arith.constant 0 : i32
    %scan3A_41 = arith.constant 53 : i32
    %scan3A_42 = arith.addi %scan3A_40, %scan3A_41 : i32
    %scan3A_43 = arith.constant 1 : i32
    scf.for %scan3A_67 = %scan3A_40 to %scan3A_42 step %scan3A_43  : i32 {
      %mul3A_68 = arith.constant 3 : i32
      %mul3A_69 = arith.muli %scan3A_67, %mul3A_68 : i32
      %add3A_70 = arith.constant 0 : i32
      %add3A_71 = arith.addi %mul3A_69, %add3A_70 : i32
      %add3A_72 = arith.constant 1 : i32
      %add3A_73 = arith.addi %add3A_71, %add3A_72 : i32
      %dma_wait3A_74 = arith.constant 0 : i32
      %dma_wait3A_75 = arith.constant 0 : i32
      %dma_wait3A_76 = tpu.memref_slice %arg7[%dma_wait3A_74, %dma_wait3A_75] : memref<1x64xi32, #tpu.memory_space<vmem>> -> memref<1x64xi32, #tpu.memory_space<vmem>>
      %dma_wait3A_77 = tpu.memref_squeeze %dma_wait3A_76 : memref<1x64xi32, #tpu.memory_space<vmem>> -> memref<64xi32, #tpu.memory_space<vmem>>
      %dma_wait3A_78 = arith.constant 0 : i32
      %dma_wait3A_79 = arith.constant 0 : i32
      %dma_wait3A_80 = tpu.memref_slice %arg2[%dma_wait3A_78, %dma_wait3A_79] : memref<10240x128xf32, #tpu.memory_space<hbm>> -> memref<10240x128xf32, #tpu.memory_space<hbm>>
      tpu.wait_indirect_dma semaphore(%arg18 : memref<!tpu.dma_semaphore, #tpu.memory_space<semaphore_mem>>) src(%dma_wait3A_80 : memref<10240x128xf32, #tpu.memory_space<hbm>>) dst(%arg11 : memref<64x128xf32, #tpu.memory_space<vmem>>)
      %add3A_81 = arith.constant 3 : i32
      %add3A_82 = arith.addi %add3A_71, %add3A_81 : i32
      %lt3A = arith.constant 159 : i32
      %lt3A_83 = arith.cmpi slt, %add3A_82, %lt3A : i32
      %convert_element_type3A = arith.extui %lt3A_83 : i1 to i32
      %cond3A = arith.constant 0 : i32
      %cond3A_84 = arith.cmpi ne, %convert_element_type3A, %cond3A : i32
      scf.if %cond3A_84 {
        %add3A_158 = arith.constant 3 : i32
        %add3A_159 = arith.addi %add3A_71, %add3A_158 : i32
        %dma_start3A_160 = arith.constant 0 : i32
        %dma_start3A_161 = tpu.memref_slice %arg3[%add3A, %add3A_159, %dma_start3A_160] : memref<32x159x64xi32, #tpu.memory_space<hbm>> -> memref<1x1x64xi32, #tpu.memory_space<hbm>>
        %dma_start3A_162 = tpu.memref_squeeze %dma_start3A_161 : memref<1x1x64xi32, #tpu.memory_space<hbm>> -> memref<1x64xi32, #tpu.memory_space<hbm>>
        %dma_start3A_163 = arith.constant 0 : i32
        %dma_start3A_164 = tpu.memref_slice %arg3[%add3A, %add3A_159, %dma_start3A_163] : memref<32x159x64xi32, #tpu.memory_space<hbm>> -> memref<1x1x64xi32, #tpu.memory_space<hbm>>
        %dma_start3A_165 = tpu.memref_squeeze %dma_start3A_164 : memref<1x1x64xi32, #tpu.memory_space<hbm>> -> memref<1x64xi32, #tpu.memory_space<hbm>>
        tpu.enqueue_dma source(%dma_start3A_165 : memref<1x64xi32, #tpu.memory_space<hbm>>) target(%arg7 : memref<1x64xi32, #tpu.memory_space<vmem>>) target_semaphore(%arg15 : memref<!tpu.dma_semaphore, #tpu.memory_space<semaphore_mem>>)
      } else {
      }
      %dma_start3A_85 = arith.constant 0 : i32
      %dma_start3A_86 = tpu.memref_slice %arg10[%add3A_71, %dma_start3A_85] : memref<159x64xi32, #tpu.memory_space<vmem>> -> memref<1x64xi32, #tpu.memory_space<vmem>>
      %dma_start3A_87 = tpu.memref_squeeze %dma_start3A_86 : memref<1x64xi32, #tpu.memory_space<vmem>> -> memref<64xi32, #tpu.memory_space<vmem>>
      %dma_start3A_88 = arith.constant 0 : i32
      %dma_start3A_89 = arith.constant 0 : i32
      %dma_start3A_90 = tpu.memref_slice %arg14[%dma_start3A_88, %dma_start3A_89] : memref<10240x128xf32, #tpu.memory_space<vmem_shared>> -> memref<10240x128xf32, #tpu.memory_space<vmem_shared>>
      tpu.enqueue_indirect_dma source(%arg11 : memref<64x128xf32, #tpu.memory_space<vmem>>) target(%dma_start3A_90 : memref<10240x128xf32, #tpu.memory_space<vmem_shared>>) offsets(%dma_start3A_87 : memref<64xi32, #tpu.memory_space<vmem>>) semaphore(%arg21 : memref<!tpu.dma_semaphore, #tpu.memory_space<semaphore_mem>>) {add = true}
      %lt3A_91 = arith.constant 159 : i32
      %lt3A_92 = arith.cmpi slt, %add3A_73, %lt3A_91 : i32
      %convert_element_type3A_93 = arith.extui %lt3A_92 : i1 to i32
      %cond3A_94 = arith.constant 0 : i32
      %cond3A_95 = arith.cmpi ne, %convert_element_type3A_93, %cond3A_94 : i32
      scf.if %cond3A_95 {
        %ge3A = arith.constant 3 : i32
        %ge3A_158 = arith.cmpi sge, %add3A_73, %ge3A : i32
        %convert_element_type3A_159 = arith.extui %ge3A_158 : i1 to i32
        %cond3A_160 = arith.constant 0 : i32
        %cond3A_161 = arith.cmpi ne, %convert_element_type3A_159, %cond3A_160 : i32
        scf.if %cond3A_161 {
          %sub3A = arith.constant 3 : i32
          %sub3A_175 = arith.subi %add3A_73, %sub3A : i32
          %dma_wait3A_176 = arith.constant 0 : i32
          %dma_wait3A_177 = tpu.memref_slice %arg10[%sub3A_175, %dma_wait3A_176] : memref<159x64xi32, #tpu.memory_space<vmem>> -> memref<1x64xi32, #tpu.memory_space<vmem>>
          %dma_wait3A_178 = tpu.memref_squeeze %dma_wait3A_177 : memref<1x64xi32, #tpu.memory_space<vmem>> -> memref<64xi32, #tpu.memory_space<vmem>>
          %dma_wait3A_179 = arith.constant 0 : i32
          %dma_wait3A_180 = arith.constant 0 : i32
          %dma_wait3A_181 = tpu.memref_slice %arg14[%dma_wait3A_179, %dma_wait3A_180] : memref<10240x128xf32, #tpu.memory_space<vmem_shared>> -> memref<10240x128xf32, #tpu.memory_space<vmem_shared>>
          tpu.wait_indirect_dma semaphore(%arg22 : memref<!tpu.dma_semaphore, #tpu.memory_space<semaphore_mem>>) src(%arg12 : memref<64x128xf32, #tpu.memory_space<vmem>>) dst(%dma_wait3A_181 : memref<10240x128xf32, #tpu.memory_space<vmem_shared>>)
        } else {
        }
        %dma_wait3A_162 = arith.constant 0 : i32
        %dma_wait3A_163 = tpu.memref_slice %arg3[%add3A, %add3A_73, %dma_wait3A_162] : memref<32x159x64xi32, #tpu.memory_space<hbm>> -> memref<1x1x64xi32, #tpu.memory_space<hbm>>
        %dma_wait3A_164 = tpu.memref_squeeze %dma_wait3A_163 : memref<1x1x64xi32, #tpu.memory_space<hbm>> -> memref<1x64xi32, #tpu.memory_space<hbm>>
        %dma_wait3A_165 = arith.constant 0 : i32
        %dma_wait3A_166 = tpu.memref_slice %arg3[%add3A, %add3A_73, %dma_wait3A_165] : memref<32x159x64xi32, #tpu.memory_space<hbm>> -> memref<1x1x64xi32, #tpu.memory_space<hbm>>
        %dma_wait3A_167 = tpu.memref_squeeze %dma_wait3A_166 : memref<1x1x64xi32, #tpu.memory_space<hbm>> -> memref<1x64xi32, #tpu.memory_space<hbm>>
        tpu.wait_dma2 semaphore(%arg16 : memref<!tpu.dma_semaphore, #tpu.memory_space<semaphore_mem>>) src(%dma_wait3A_167 : memref<1x64xi32, #tpu.memory_space<hbm>>) dst(%arg8 : memref<1x64xi32, #tpu.memory_space<vmem>>)
        %dma_start3A_168 = arith.constant 0 : i32
        %dma_start3A_169 = arith.constant 0 : i32
        %dma_start3A_170 = tpu.memref_slice %arg8[%dma_start3A_168, %dma_start3A_169] : memref<1x64xi32, #tpu.memory_space<vmem>> -> memref<1x64xi32, #tpu.memory_space<vmem>>
        %dma_start3A_171 = tpu.memref_squeeze %dma_start3A_170 : memref<1x64xi32, #tpu.memory_space<vmem>> -> memref<64xi32, #tpu.memory_space<vmem>>
        %dma_start3A_172 = arith.constant 0 : i32
        %dma_start3A_173 = arith.constant 0 : i32
        %dma_start3A_174 = tpu.memref_slice %arg2[%dma_start3A_172, %dma_start3A_173] : memref<10240x128xf32, #tpu.memory_space<hbm>> -> memref<10240x128xf32, #tpu.memory_space<hbm>>
        tpu.enqueue_indirect_dma source(%dma_start3A_174 : memref<10240x128xf32, #tpu.memory_space<hbm>>) target(%arg12 : memref<64x128xf32, #tpu.memory_space<vmem>>) offsets(%dma_start3A_171 : memref<64xi32, #tpu.memory_space<vmem>>) semaphore(%arg19 : memref<!tpu.dma_semaphore, #tpu.memory_space<semaphore_mem>>)
      } else {
      }
      %mul3A_96 = arith.constant 3 : i32
      %mul3A_97 = arith.muli %scan3A_67, %mul3A_96 : i32
      %add3A_98 = arith.constant 1 : i32
      %add3A_99 = arith.addi %mul3A_97, %add3A_98 : i32
      %add3A_100 = arith.constant 1 : i32
      %add3A_101 = arith.addi %add3A_99, %add3A_100 : i32
      %dma_wait3A_102 = arith.constant 0 : i32
      %dma_wait3A_103 = arith.constant 0 : i32
      %dma_wait3A_104 = tpu.memref_slice %arg8[%dma_wait3A_102, %dma_wait3A_103] : memref<1x64xi32, #tpu.memory_space<vmem>> -> memref<1x64xi32, #tpu.memory_space<vmem>>
      %dma_wait3A_105 = tpu.memref_squeeze %dma_wait3A_104 : memref<1x64xi32, #tpu.memory_space<vmem>> -> memref<64xi32, #tpu.memory_space<vmem>>
      %dma_wait3A_106 = arith.constant 0 : i32
      %dma_wait3A_107 = arith.constant 0 : i32
      %dma_wait3A_108 = tpu.memref_slice %arg2[%dma_wait3A_106, %dma_wait3A_107] : memref<10240x128xf32, #tpu.memory_space<hbm>> -> memref<10240x128xf32, #tpu.memory_space<hbm>>
      tpu.wait_indirect_dma semaphore(%arg19 : memref<!tpu.dma_semaphore, #tpu.memory_space<semaphore_mem>>) src(%dma_wait3A_108 : memref<10240x128xf32, #tpu.memory_space<hbm>>) dst(%arg12 : memref<64x128xf32, #tpu.memory_space<vmem>>)
      %add3A_109 = arith.constant 3 : i32
      %add3A_110 = arith.addi %add3A_99, %add3A_109 : i32
      %lt3A_111 = arith.constant 159 : i32
      %lt3A_112 = arith.cmpi slt, %add3A_110, %lt3A_111 : i32
      %convert_element_type3A_113 = arith.extui %lt3A_112 : i1 to i32
      %cond3A_114 = arith.constant 0 : i32
      %cond3A_115 = arith.cmpi ne, %convert_element_type3A_113, %cond3A_114 : i32
      scf.if %cond3A_115 {
        %add3A_158 = arith.constant 3 : i32
        %add3A_159 = arith.addi %add3A_99, %add3A_158 : i32
        %dma_start3A_160 = arith.constant 0 : i32
        %dma_start3A_161 = tpu.memref_slice %arg3[%add3A, %add3A_159, %dma_start3A_160] : memref<32x159x64xi32, #tpu.memory_space<hbm>> -> memref<1x1x64xi32, #tpu.memory_space<hbm>>
        %dma_start3A_162 = tpu.memref_squeeze %dma_start3A_161 : memref<1x1x64xi32, #tpu.memory_space<hbm>> -> memref<1x64xi32, #tpu.memory_space<hbm>>
        %dma_start3A_163 = arith.constant 0 : i32
        %dma_start3A_164 = tpu.memref_slice %arg3[%add3A, %add3A_159, %dma_start3A_163] : memref<32x159x64xi32, #tpu.memory_space<hbm>> -> memref<1x1x64xi32, #tpu.memory_space<hbm>>
        %dma_start3A_165 = tpu.memref_squeeze %dma_start3A_164 : memref<1x1x64xi32, #tpu.memory_space<hbm>> -> memref<1x64xi32, #tpu.memory_space<hbm>>
        tpu.enqueue_dma source(%dma_start3A_165 : memref<1x64xi32, #tpu.memory_space<hbm>>) target(%arg8 : memref<1x64xi32, #tpu.memory_space<vmem>>) target_semaphore(%arg16 : memref<!tpu.dma_semaphore, #tpu.memory_space<semaphore_mem>>)
      } else {
      }
      %dma_start3A_116 = arith.constant 0 : i32
      %dma_start3A_117 = tpu.memref_slice %arg10[%add3A_99, %dma_start3A_116] : memref<159x64xi32, #tpu.memory_space<vmem>> -> memref<1x64xi32, #tpu.memory_space<vmem>>
      %dma_start3A_118 = tpu.memref_squeeze %dma_start3A_117 : memref<1x64xi32, #tpu.memory_space<vmem>> -> memref<64xi32, #tpu.memory_space<vmem>>
      %dma_start3A_119 = arith.constant 0 : i32
      %dma_start3A_120 = arith.constant 0 : i32
      %dma_start3A_121 = tpu.memref_slice %arg14[%dma_start3A_119, %dma_start3A_120] : memref<10240x128xf32, #tpu.memory_space<vmem_shared>> -> memref<10240x128xf32, #tpu.memory_space<vmem_shared>>
      tpu.enqueue_indirect_dma source(%arg12 : memref<64x128xf32, #tpu.memory_space<vmem>>) target(%dma_start3A_121 : memref<10240x128xf32, #tpu.memory_space<vmem_shared>>) offsets(%dma_start3A_118 : memref<64xi32, #tpu.memory_space<vmem>>) semaphore(%arg22 : memref<!tpu.dma_semaphore, #tpu.memory_space<semaphore_mem>>) {add = true}
      %lt3A_122 = arith.constant 159 : i32
      %lt3A_123 = arith.cmpi slt, %add3A_101, %lt3A_122 : i32
      %convert_element_type3A_124 = arith.extui %lt3A_123 : i1 to i32
      %cond3A_125 = arith.constant 0 : i32
      %cond3A_126 = arith.cmpi ne, %convert_element_type3A_124, %cond3A_125 : i32
      scf.if %cond3A_126 {
        %ge3A = arith.constant 3 : i32
        %ge3A_158 = arith.cmpi sge, %add3A_101, %ge3A : i32
        %convert_element_type3A_159 = arith.extui %ge3A_158 : i1 to i32
        %cond3A_160 = arith.constant 0 : i32
        %cond3A_161 = arith.cmpi ne, %convert_element_type3A_159, %cond3A_160 : i32
        scf.if %cond3A_161 {
          %sub3A = arith.constant 3 : i32
          %sub3A_175 = arith.subi %add3A_101, %sub3A : i32
          %dma_wait3A_176 = arith.constant 0 : i32
          %dma_wait3A_177 = tpu.memref_slice %arg10[%sub3A_175, %dma_wait3A_176] : memref<159x64xi32, #tpu.memory_space<vmem>> -> memref<1x64xi32, #tpu.memory_space<vmem>>
          %dma_wait3A_178 = tpu.memref_squeeze %dma_wait3A_177 : memref<1x64xi32, #tpu.memory_space<vmem>> -> memref<64xi32, #tpu.memory_space<vmem>>
          %dma_wait3A_179 = arith.constant 0 : i32
          %dma_wait3A_180 = arith.constant 0 : i32
          %dma_wait3A_181 = tpu.memref_slice %arg14[%dma_wait3A_179, %dma_wait3A_180] : memref<10240x128xf32, #tpu.memory_space<vmem_shared>> -> memref<10240x128xf32, #tpu.memory_space<vmem_shared>>
          tpu.wait_indirect_dma semaphore(%arg23 : memref<!tpu.dma_semaphore, #tpu.memory_space<semaphore_mem>>) src(%arg13 : memref<64x128xf32, #tpu.memory_space<vmem>>) dst(%dma_wait3A_181 : memref<10240x128xf32, #tpu.memory_space<vmem_shared>>)
        } else {
        }
        %dma_wait3A_162 = arith.constant 0 : i32
        %dma_wait3A_163 = tpu.memref_slice %arg3[%add3A, %add3A_101, %dma_wait3A_162] : memref<32x159x64xi32, #tpu.memory_space<hbm>> -> memref<1x1x64xi32, #tpu.memory_space<hbm>>
        %dma_wait3A_164 = tpu.memref_squeeze %dma_wait3A_163 : memref<1x1x64xi32, #tpu.memory_space<hbm>> -> memref<1x64xi32, #tpu.memory_space<hbm>>
        %dma_wait3A_165 = arith.constant 0 : i32
        %dma_wait3A_166 = tpu.memref_slice %arg3[%add3A, %add3A_101, %dma_wait3A_165] : memref<32x159x64xi32, #tpu.memory_space<hbm>> -> memref<1x1x64xi32, #tpu.memory_space<hbm>>
        %dma_wait3A_167 = tpu.memref_squeeze %dma_wait3A_166 : memref<1x1x64xi32, #tpu.memory_space<hbm>> -> memref<1x64xi32, #tpu.memory_space<hbm>>
        tpu.wait_dma2 semaphore(%arg17 : memref<!tpu.dma_semaphore, #tpu.memory_space<semaphore_mem>>) src(%dma_wait3A_167 : memref<1x64xi32, #tpu.memory_space<hbm>>) dst(%arg9 : memref<1x64xi32, #tpu.memory_space<vmem>>)
        %dma_start3A_168 = arith.constant 0 : i32
        %dma_start3A_169 = arith.constant 0 : i32
        %dma_start3A_170 = tpu.memref_slice %arg9[%dma_start3A_168, %dma_start3A_169] : memref<1x64xi32, #tpu.memory_space<vmem>> -> memref<1x64xi32, #tpu.memory_space<vmem>>
        %dma_start3A_171 = tpu.memref_squeeze %dma_start3A_170 : memref<1x64xi32, #tpu.memory_space<vmem>> -> memref<64xi32, #tpu.memory_space<vmem>>
        %dma_start3A_172 = arith.constant 0 : i32
        %dma_start3A_173 = arith.constant 0 : i32
        %dma_start3A_174 = tpu.memref_slice %arg2[%dma_start3A_172, %dma_start3A_173] : memref<10240x128xf32, #tpu.memory_space<hbm>> -> memref<10240x128xf32, #tpu.memory_space<hbm>>
        tpu.enqueue_indirect_dma source(%dma_start3A_174 : memref<10240x128xf32, #tpu.memory_space<hbm>>) target(%arg13 : memref<64x128xf32, #tpu.memory_space<vmem>>) offsets(%dma_start3A_171 : memref<64xi32, #tpu.memory_space<vmem>>) semaphore(%arg20 : memref<!tpu.dma_semaphore, #tpu.memory_space<semaphore_mem>>)
      } else {
      }
      %mul3A_127 = arith.constant 3 : i32
      %mul3A_128 = arith.muli %scan3A_67, %mul3A_127 : i32
      %add3A_129 = arith.constant 2 : i32
      %add3A_130 = arith.addi %mul3A_128, %add3A_129 : i32
      %add3A_131 = arith.constant 1 : i32
      %add3A_132 = arith.addi %add3A_130, %add3A_131 : i32
      %dma_wait3A_133 = arith.constant 0 : i32
      %dma_wait3A_134 = arith.constant 0 : i32
      %dma_wait3A_135 = tpu.memref_slice %arg9[%dma_wait3A_133, %dma_wait3A_134] : memref<1x64xi32, #tpu.memory_space<vmem>> -> memref<1x64xi32, #tpu.memory_space<vmem>>
      %dma_wait3A_136 = tpu.memref_squeeze %dma_wait3A_135 : memref<1x64xi32, #tpu.memory_space<vmem>> -> memref<64xi32, #tpu.memory_space<vmem>>
      %dma_wait3A_137 = arith.constant 0 : i32
      %dma_wait3A_138 = arith.constant 0 : i32
      %dma_wait3A_139 = tpu.memref_slice %arg2[%dma_wait3A_137, %dma_wait3A_138] : memref<10240x128xf32, #tpu.memory_space<hbm>> -> memref<10240x128xf32, #tpu.memory_space<hbm>>
      tpu.wait_indirect_dma semaphore(%arg20 : memref<!tpu.dma_semaphore, #tpu.memory_space<semaphore_mem>>) src(%dma_wait3A_139 : memref<10240x128xf32, #tpu.memory_space<hbm>>) dst(%arg13 : memref<64x128xf32, #tpu.memory_space<vmem>>)
      %add3A_140 = arith.constant 3 : i32
      %add3A_141 = arith.addi %add3A_130, %add3A_140 : i32
      %lt3A_142 = arith.constant 159 : i32
      %lt3A_143 = arith.cmpi slt, %add3A_141, %lt3A_142 : i32
      %convert_element_type3A_144 = arith.extui %lt3A_143 : i1 to i32
      %cond3A_145 = arith.constant 0 : i32
      %cond3A_146 = arith.cmpi ne, %convert_element_type3A_144, %cond3A_145 : i32
      scf.if %cond3A_146 {
        %add3A_158 = arith.constant 3 : i32
        %add3A_159 = arith.addi %add3A_130, %add3A_158 : i32
        %dma_start3A_160 = arith.constant 0 : i32
        %dma_start3A_161 = tpu.memref_slice %arg3[%add3A, %add3A_159, %dma_start3A_160] : memref<32x159x64xi32, #tpu.memory_space<hbm>> -> memref<1x1x64xi32, #tpu.memory_space<hbm>>
        %dma_start3A_162 = tpu.memref_squeeze %dma_start3A_161 : memref<1x1x64xi32, #tpu.memory_space<hbm>> -> memref<1x64xi32, #tpu.memory_space<hbm>>
        %dma_start3A_163 = arith.constant 0 : i32
        %dma_start3A_164 = tpu.memref_slice %arg3[%add3A, %add3A_159, %dma_start3A_163] : memref<32x159x64xi32, #tpu.memory_space<hbm>> -> memref<1x1x64xi32, #tpu.memory_space<hbm>>
        %dma_start3A_165 = tpu.memref_squeeze %dma_start3A_164 : memref<1x1x64xi32, #tpu.memory_space<hbm>> -> memref<1x64xi32, #tpu.memory_space<hbm>>
        tpu.enqueue_dma source(%dma_start3A_165 : memref<1x64xi32, #tpu.memory_space<hbm>>) target(%arg9 : memref<1x64xi32, #tpu.memory_space<vmem>>) target_semaphore(%arg17 : memref<!tpu.dma_semaphore, #tpu.memory_space<semaphore_mem>>)
      } else {
      }
      %dma_start3A_147 = arith.constant 0 : i32
      %dma_start3A_148 = tpu.memref_slice %arg10[%add3A_130, %dma_start3A_147] : memref<159x64xi32, #tpu.memory_space<vmem>> -> memref<1x64xi32, #tpu.memory_space<vmem>>
      %dma_start3A_149 = tpu.memref_squeeze %dma_start3A_148 : memref<1x64xi32, #tpu.memory_space<vmem>> -> memref<64xi32, #tpu.memory_space<vmem>>
      %dma_start3A_150 = arith.constant 0 : i32
      %dma_start3A_151 = arith.constant 0 : i32
      %dma_start3A_152 = tpu.memref_slice %arg14[%dma_start3A_150, %dma_start3A_151] : memref<10240x128xf32, #tpu.memory_space<vmem_shared>> -> memref<10240x128xf32, #tpu.memory_space<vmem_shared>>
      tpu.enqueue_indirect_dma source(%arg13 : memref<64x128xf32, #tpu.memory_space<vmem>>) target(%dma_start3A_152 : memref<10240x128xf32, #tpu.memory_space<vmem_shared>>) offsets(%dma_start3A_149 : memref<64xi32, #tpu.memory_space<vmem>>) semaphore(%arg23 : memref<!tpu.dma_semaphore, #tpu.memory_space<semaphore_mem>>) {add = true}
      %lt3A_153 = arith.constant 159 : i32
      %lt3A_154 = arith.cmpi slt, %add3A_132, %lt3A_153 : i32
      %convert_element_type3A_155 = arith.extui %lt3A_154 : i1 to i32
      %cond3A_156 = arith.constant 0 : i32
      %cond3A_157 = arith.cmpi ne, %convert_element_type3A_155, %cond3A_156 : i32
      scf.if %cond3A_157 {
        %ge3A = arith.constant 3 : i32
        %ge3A_158 = arith.cmpi sge, %add3A_132, %ge3A : i32
        %convert_element_type3A_159 = arith.extui %ge3A_158 : i1 to i32
        %cond3A_160 = arith.constant 0 : i32
        %cond3A_161 = arith.cmpi ne, %convert_element_type3A_159, %cond3A_160 : i32
        scf.if %cond3A_161 {
          %sub3A = arith.constant 3 : i32
          %sub3A_175 = arith.subi %add3A_132, %sub3A : i32
          %dma_wait3A_176 = arith.constant 0 : i32
          %dma_wait3A_177 = tpu.memref_slice %arg10[%sub3A_175, %dma_wait3A_176] : memref<159x64xi32, #tpu.memory_space<vmem>> -> memref<1x64xi32, #tpu.memory_space<vmem>>
          %dma_wait3A_178 = tpu.memref_squeeze %dma_wait3A_177 : memref<1x64xi32, #tpu.memory_space<vmem>> -> memref<64xi32, #tpu.memory_space<vmem>>
          %dma_wait3A_179 = arith.constant 0 : i32
          %dma_wait3A_180 = arith.constant 0 : i32
          %dma_wait3A_181 = tpu.memref_slice %arg14[%dma_wait3A_179, %dma_wait3A_180] : memref<10240x128xf32, #tpu.memory_space<vmem_shared>> -> memref<10240x128xf32, #tpu.memory_space<vmem_shared>>
          tpu.wait_indirect_dma semaphore(%arg21 : memref<!tpu.dma_semaphore, #tpu.memory_space<semaphore_mem>>) src(%arg11 : memref<64x128xf32, #tpu.memory_space<vmem>>) dst(%dma_wait3A_181 : memref<10240x128xf32, #tpu.memory_space<vmem_shared>>)
        } else {
        }
        %dma_wait3A_162 = arith.constant 0 : i32
        %dma_wait3A_163 = tpu.memref_slice %arg3[%add3A, %add3A_132, %dma_wait3A_162] : memref<32x159x64xi32, #tpu.memory_space<hbm>> -> memref<1x1x64xi32, #tpu.memory_space<hbm>>
        %dma_wait3A_164 = tpu.memref_squeeze %dma_wait3A_163 : memref<1x1x64xi32, #tpu.memory_space<hbm>> -> memref<1x64xi32, #tpu.memory_space<hbm>>
        %dma_wait3A_165 = arith.constant 0 : i32
        %dma_wait3A_166 = tpu.memref_slice %arg3[%add3A, %add3A_132, %dma_wait3A_165] : memref<32x159x64xi32, #tpu.memory_space<hbm>> -> memref<1x1x64xi32, #tpu.memory_space<hbm>>
        %dma_wait3A_167 = tpu.memref_squeeze %dma_wait3A_166 : memref<1x1x64xi32, #tpu.memory_space<hbm>> -> memref<1x64xi32, #tpu.memory_space<hbm>>
        tpu.wait_dma2 semaphore(%arg15 : memref<!tpu.dma_semaphore, #tpu.memory_space<semaphore_mem>>) src(%dma_wait3A_167 : memref<1x64xi32, #tpu.memory_space<hbm>>) dst(%arg7 : memref<1x64xi32, #tpu.memory_space<vmem>>)
        %dma_start3A_168 = arith.constant 0 : i32
        %dma_start3A_169 = arith.constant 0 : i32
        %dma_start3A_170 = tpu.memref_slice %arg7[%dma_start3A_168, %dma_start3A_169] : memref<1x64xi32, #tpu.memory_space<vmem>> -> memref<1x64xi32, #tpu.memory_space<vmem>>
        %dma_start3A_171 = tpu.memref_squeeze %dma_start3A_170 : memref<1x64xi32, #tpu.memory_space<vmem>> -> memref<64xi32, #tpu.memory_space<vmem>>
        %dma_start3A_172 = arith.constant 0 : i32
        %dma_start3A_173 = arith.constant 0 : i32
        %dma_start3A_174 = tpu.memref_slice %arg2[%dma_start3A_172, %dma_start3A_173] : memref<10240x128xf32, #tpu.memory_space<hbm>> -> memref<10240x128xf32, #tpu.memory_space<hbm>>
        tpu.enqueue_indirect_dma source(%dma_start3A_174 : memref<10240x128xf32, #tpu.memory_space<hbm>>) target(%arg11 : memref<64x128xf32, #tpu.memory_space<vmem>>) offsets(%dma_start3A_171 : memref<64xi32, #tpu.memory_space<vmem>>) semaphore(%arg18 : memref<!tpu.dma_semaphore, #tpu.memory_space<semaphore_mem>>)
      } else {
      }
    }
    %scan3A_44 = arith.constant 53 : i32
    %dma_wait3A_45 = arith.constant 156 : i32
    %dma_wait3A_46 = arith.constant 0 : i32
    %dma_wait3A_47 = tpu.memref_slice %arg10[%dma_wait3A_45, %dma_wait3A_46] : memref<159x64xi32, #tpu.memory_space<vmem>> -> memref<1x64xi32, #tpu.memory_space<vmem>>
    %dma_wait3A_48 = tpu.memref_squeeze %dma_wait3A_47 : memref<1x64xi32, #tpu.memory_space<vmem>> -> memref<64xi32, #tpu.memory_space<vmem>>
    %dma_wait3A_49 = arith.constant 0 : i32
    %dma_wait3A_50 = arith.constant 0 : i32
    %dma_wait3A_51 = tpu.memref_slice %arg14[%dma_wait3A_49, %dma_wait3A_50] : memref<10240x128xf32, #tpu.memory_space<vmem_shared>> -> memref<10240x128xf32, #tpu.memory_space<vmem_shared>>
    tpu.wait_indirect_dma semaphore(%arg21 : memref<!tpu.dma_semaphore, #tpu.memory_space<semaphore_mem>>) src(%arg11 : memref<64x128xf32, #tpu.memory_space<vmem>>) dst(%dma_wait3A_51 : memref<10240x128xf32, #tpu.memory_space<vmem_shared>>)
    %dma_wait3A_52 = arith.constant 157 : i32
    %dma_wait3A_53 = arith.constant 0 : i32
    %dma_wait3A_54 = tpu.memref_slice %arg10[%dma_wait3A_52, %dma_wait3A_53] : memref<159x64xi32, #tpu.memory_space<vmem>> -> memref<1x64xi32, #tpu.memory_space<vmem>>
    %dma_wait3A_55 = tpu.memref_squeeze %dma_wait3A_54 : memref<1x64xi32, #tpu.memory_space<vmem>> -> memref<64xi32, #tpu.memory_space<vmem>>
    %dma_wait3A_56 = arith.constant 0 : i32
    %dma_wait3A_57 = arith.constant 0 : i32
    %dma_wait3A_58 = tpu.memref_slice %arg14[%dma_wait3A_56, %dma_wait3A_57] : memref<10240x128xf32, #tpu.memory_space<vmem_shared>> -> memref<10240x128xf32, #tpu.memory_space<vmem_shared>>
    tpu.wait_indirect_dma semaphore(%arg22 : memref<!tpu.dma_semaphore, #tpu.memory_space<semaphore_mem>>) src(%arg12 : memref<64x128xf32, #tpu.memory_space<vmem>>) dst(%dma_wait3A_58 : memref<10240x128xf32, #tpu.memory_space<vmem_shared>>)
    %dma_wait3A_59 = arith.constant 158 : i32
    %dma_wait3A_60 = arith.constant 0 : i32
    %dma_wait3A_61 = tpu.memref_slice %arg10[%dma_wait3A_59, %dma_wait3A_60] : memref<159x64xi32, #tpu.memory_space<vmem>> -> memref<1x64xi32, #tpu.memory_space<vmem>>
    %dma_wait3A_62 = tpu.memref_squeeze %dma_wait3A_61 : memref<1x64xi32, #tpu.memory_space<vmem>> -> memref<64xi32, #tpu.memory_space<vmem>>
    %dma_wait3A_63 = arith.constant 0 : i32
    %dma_wait3A_64 = arith.constant 0 : i32
    %dma_wait3A_65 = tpu.memref_slice %arg14[%dma_wait3A_63, %dma_wait3A_64] : memref<10240x128xf32, #tpu.memory_space<vmem_shared>> -> memref<10240x128xf32, #tpu.memory_space<vmem_shared>>
    tpu.wait_indirect_dma semaphore(%arg23 : memref<!tpu.dma_semaphore, #tpu.memory_space<semaphore_mem>>) src(%arg13 : memref<64x128xf32, #tpu.memory_space<vmem>>) dst(%dma_wait3A_65 : memref<10240x128xf32, #tpu.memory_space<vmem_shared>>)
    %barrier3A_66 = arith.constant 0 : index
    tpu.barrier barrier_id(%barrier3A_66)
    "tpu.region"() ({
      %run_scoped3A = tpu.sem_alloc : memref<!tpu.dma_semaphore, #tpu.memory_space<semaphore_mem>>
      %dma_start3A_67 = arith.constant 0 : i32
      %dma_start3A_68 = tpu.memref_slice %arg6[%arg0, %mul3A_2, %dma_start3A_67] : memref<2x10240x128xf32, #tpu.memory_space<hbm>> -> memref<1x640x128xf32, #tpu.memory_space<hbm>>
      %dma_start3A_69 = tpu.memref_squeeze %dma_start3A_68 : memref<1x640x128xf32, #tpu.memory_space<hbm>> -> memref<640x128xf32, #tpu.memory_space<hbm>>
      %dma_start3A_70 = arith.constant 0 : i32
      %dma_start3A_71 = tpu.memref_slice %arg14[%mul3A_2, %dma_start3A_70] : memref<10240x128xf32, #tpu.memory_space<vmem_shared>> -> memref<640x128xf32, #tpu.memory_space<vmem_shared>>
      tpu.enqueue_dma source(%dma_start3A_71 : memref<640x128xf32, #tpu.memory_space<vmem_shared>>) target(%dma_start3A_69 : memref<640x128xf32, #tpu.memory_space<hbm>>) target_semaphore(%run_scoped3A : memref<!tpu.dma_semaphore, #tpu.memory_space<semaphore_mem>>)
      %dma_wait3A_72 = arith.constant 0 : i32
      %dma_wait3A_73 = tpu.memref_slice %arg6[%arg0, %mul3A_2, %dma_wait3A_72] : memref<2x10240x128xf32, #tpu.memory_space<hbm>> -> memref<1x640x128xf32, #tpu.memory_space<hbm>>
      %dma_wait3A_74 = tpu.memref_squeeze %dma_wait3A_73 : memref<1x640x128xf32, #tpu.memory_space<hbm>> -> memref<640x128xf32, #tpu.memory_space<hbm>>
      %dma_wait3A_75 = arith.constant 0 : i32
      %dma_wait3A_76 = tpu.memref_slice %arg14[%mul3A_2, %dma_wait3A_75] : memref<10240x128xf32, #tpu.memory_space<vmem_shared>> -> memref<640x128xf32, #tpu.memory_space<vmem_shared>>
      tpu.wait_dma2 semaphore(%run_scoped3A : memref<!tpu.dma_semaphore, #tpu.memory_space<semaphore_mem>>) src(%dma_wait3A_76 : memref<640x128xf32, #tpu.memory_space<vmem_shared>>) dst(%dma_wait3A_74 : memref<640x128xf32, #tpu.memory_space<hbm>>)
      tpu.yield
    }) : () -> ()
    return
  }
}

#map = affine_map<(d0, d1) -> (0, 0)>
#map1 = affine_map<(d0, d1) -> (0, 0, 0)>
module attributes {stable_mosaic.version = 14 : i64} {
  func.func @_prop_kernel(%arg0: i32, %arg1: i32, %arg2: memref<10240x128xf32, #tpu.memory_space<hbm>>, %arg3: memref<32x159x64xi32, #tpu.memory_space<hbm>>, %arg4: memref<32x159x64xi32, #tpu.memory_space<hbm>>, %arg5: memref<10240x128xf32, #tpu.memory_space<hbm>>, %arg6: memref<2x10240x128xf32, #tpu.memory_space<hbm>>, %arg7: memref<1x64xi32, #tpu.memory_space<vmem>>, %arg8: memref<1x64xi32, #tpu.memory_space<vmem>>, %arg9: memref<1x64xi32, #tpu.memory_space<vmem>>, %arg10: memref<159x64xi32, #tpu.memory_space<vmem>>, %arg11: memref<64x128xf32, #tpu.memory_space<vmem>>, %arg12: memref<64x128xf32, #tpu.memory_space<vmem>>, %arg13: memref<64x128xf32, #tpu.memory_space<vmem>>, %arg14: memref<10240x128xf32, #tpu.memory_space<vmem_shared>>, %arg15: memref<!tpu.dma_semaphore, #tpu.memory_space<semaphore_mem>>, %arg16: memref<!tpu.dma_semaphore, #tpu.memory_space<semaphore_mem>>, %arg17: memref<!tpu.dma_semaphore, #tpu.memory_space<semaphore_mem>>, %arg18: memref<!tpu.dma_semaphore, #tpu.memory_space<semaphore_mem>>, %arg19: memref<!tpu.dma_semaphore, #tpu.memory_space<semaphore_mem>>, %arg20: memref<!tpu.dma_semaphore, #tpu.memory_space<semaphore_mem>>, %arg21: memref<!tpu.dma_semaphore, #tpu.memory_space<semaphore_mem>>, %arg22: memref<!tpu.dma_semaphore, #tpu.memory_space<semaphore_mem>>, %arg23: memref<!tpu.dma_semaphore, #tpu.memory_space<semaphore_mem>>) attributes {dimension_semantics = [#tpu.dimension_semantics<core_parallel>, #tpu.dimension_semantics<subcore_parallel>], iteration_bounds = array<i64: 2, 16>, scalar_prefetch = 0 : i64, scratch_operands = 17 : i64, tpu.core_type = #tpu.core_type<sc_vector_subcore>, window_params = [{transform_indices = #map}, {transform_indices = #map1}, {transform_indices = #map1}, {transform_indices = #map}, {transform_indices = #map1}]} {
    %mul3A = arith.constant 2 : i32
    %mul3A_0 = arith.muli %arg1, %mul3A : i32
    %add3A = arith.addi %mul3A_0, %arg0 : i32
    %mul3A_1 = arith.constant 640 : i32
    %mul3A_2 = arith.muli %arg1, %mul3A_1 : i32
    "tpu.region"() ({
      %run_scoped3A = tpu.sem_alloc : memref<!tpu.dma_semaphore, #tpu.memory_space<semaphore_mem>>
      %dma_start3A_67 = arith.constant 0 : i32
      %dma_start3A_68 = arith.constant 0 : i32
      %dma_start3A_69 = tpu.memref_slice %arg4[%add3A, %dma_start3A_67, %dma_start3A_68] : memref<32x159x64xi32, #tpu.memory_space<hbm>> -> memref<1x159x64xi32, #tpu.memory_space<hbm>>
      %dma_start3A_70 = tpu.memref_squeeze %dma_start3A_69 : memref<1x159x64xi32, #tpu.memory_space<hbm>> -> memref<159x64xi32, #tpu.memory_space<hbm>>
      %dma_start3A_71 = arith.constant 0 : i32
      %dma_start3A_72 = arith.constant 0 : i32
      %dma_start3A_73 = tpu.memref_slice %arg4[%add3A, %dma_start3A_71, %dma_start3A_72] : memref<32x159x64xi32, #tpu.memory_space<hbm>> -> memref<1x159x64xi32, #tpu.memory_space<hbm>>
      %dma_start3A_74 = tpu.memref_squeeze %dma_start3A_73 : memref<1x159x64xi32, #tpu.memory_space<hbm>> -> memref<159x64xi32, #tpu.memory_space<hbm>>
      tpu.enqueue_dma source(%dma_start3A_74 : memref<159x64xi32, #tpu.memory_space<hbm>>) target(%arg10 : memref<159x64xi32, #tpu.memory_space<vmem>>) target_semaphore(%run_scoped3A : memref<!tpu.dma_semaphore, #tpu.memory_space<semaphore_mem>>)
      %dma_wait3A_75 = arith.constant 0 : i32
      %dma_wait3A_76 = arith.constant 0 : i32
      %dma_wait3A_77 = tpu.memref_slice %arg4[%add3A, %dma_wait3A_75, %dma_wait3A_76] : memref<32x159x64xi32, #tpu.memory_space<hbm>> -> memref<1x159x64xi32, #tpu.memory_space<hbm>>
      %dma_wait3A_78 = tpu.memref_squeeze %dma_wait3A_77 : memref<1x159x64xi32, #tpu.memory_space<hbm>> -> memref<159x64xi32, #tpu.memory_space<hbm>>
      %dma_wait3A_79 = arith.constant 0 : i32
      %dma_wait3A_80 = arith.constant 0 : i32
      %dma_wait3A_81 = tpu.memref_slice %arg4[%add3A, %dma_wait3A_79, %dma_wait3A_80] : memref<32x159x64xi32, #tpu.memory_space<hbm>> -> memref<1x159x64xi32, #tpu.memory_space<hbm>>
      %dma_wait3A_82 = tpu.memref_squeeze %dma_wait3A_81 : memref<1x159x64xi32, #tpu.memory_space<hbm>> -> memref<159x64xi32, #tpu.memory_space<hbm>>
      tpu.wait_dma2 semaphore(%run_scoped3A : memref<!tpu.dma_semaphore, #tpu.memory_space<semaphore_mem>>) src(%dma_wait3A_82 : memref<159x64xi32, #tpu.memory_space<hbm>>) dst(%arg10 : memref<159x64xi32, #tpu.memory_space<vmem>>)
      tpu.yield
    }) : () -> ()
    "tpu.region"() ({
      %run_scoped3A = tpu.sem_alloc : memref<!tpu.dma_semaphore, #tpu.memory_space<semaphore_mem>>
      %dma_start3A_67 = arith.constant 0 : i32
      %dma_start3A_68 = tpu.memref_slice %arg14[%mul3A_2, %dma_start3A_67] : memref<10240x128xf32, #tpu.memory_space<vmem_shared>> -> memref<640x128xf32, #tpu.memory_space<vmem_shared>>
      %dma_start3A_69 = arith.constant 0 : i32
      %dma_start3A_70 = tpu.memref_slice %arg5[%mul3A_2, %dma_start3A_69] : memref<10240x128xf32, #tpu.memory_space<hbm>> -> memref<640x128xf32, #tpu.memory_space<hbm>>
      tpu.enqueue_dma source(%dma_start3A_70 : memref<640x128xf32, #tpu.memory_space<hbm>>) target(%dma_start3A_68 : memref<640x128xf32, #tpu.memory_space<vmem_shared>>) target_semaphore(%run_scoped3A : memref<!tpu.dma_semaphore, #tpu.memory_space<semaphore_mem>>)
      %dma_wait3A_71 = arith.constant 0 : i32
      %dma_wait3A_72 = tpu.memref_slice %arg14[%mul3A_2, %dma_wait3A_71] : memref<10240x128xf32, #tpu.memory_space<vmem_shared>> -> memref<640x128xf32, #tpu.memory_space<vmem_shared>>
      %dma_wait3A_73 = arith.constant 0 : i32
      %dma_wait3A_74 = tpu.memref_slice %arg5[%mul3A_2, %dma_wait3A_73] : memref<10240x128xf32, #tpu.memory_space<hbm>> -> memref<640x128xf32, #tpu.memory_space<hbm>>
      tpu.wait_dma2 semaphore(%run_scoped3A : memref<!tpu.dma_semaphore, #tpu.memory_space<semaphore_mem>>) src(%dma_wait3A_74 : memref<640x128xf32, #tpu.memory_space<hbm>>) dst(%dma_wait3A_72 : memref<640x128xf32, #tpu.memory_space<vmem_shared>>)
      tpu.yield
    }) : () -> ()
    %barrier3A = arith.constant 0 : index
    tpu.barrier barrier_id(%barrier3A)
    %dma_start3A = arith.constant 0 : i32
    %dma_start3A_3 = arith.constant 0 : i32
    %dma_start3A_4 = tpu.memref_slice %arg3[%add3A, %dma_start3A, %dma_start3A_3] : memref<32x159x64xi32, #tpu.memory_space<hbm>> -> memref<1x1x64xi32, #tpu.memory_space<hbm>>
    %dma_start3A_5 = tpu.memref_squeeze %dma_start3A_4 : memref<1x1x64xi32, #tpu.memory_space<hbm>> -> memref<1x64xi32, #tpu.memory_space<hbm>>
    %dma_start3A_6 = arith.constant 0 : i32
    %dma_start3A_7 = arith.constant 0 : i32
    %dma_start3A_8 = tpu.memref_slice %arg3[%add3A, %dma_start3A_6, %dma_start3A_7] : memref<32x159x64xi32, #tpu.memory_space<hbm>> -> memref<1x1x64xi32, #tpu.memory_space<hbm>>
    %dma_start3A_9 = tpu.memref_squeeze %dma_start3A_8 : memref<1x1x64xi32, #tpu.memory_space<hbm>> -> memref<1x64xi32, #tpu.memory_space<hbm>>
    tpu.enqueue_dma source(%dma_start3A_9 : memref<1x64xi32, #tpu.memory_space<hbm>>) target(%arg7 : memref<1x64xi32, #tpu.memory_space<vmem>>) target_semaphore(%arg15 : memref<!tpu.dma_semaphore, #tpu.memory_space<semaphore_mem>>)
    %dma_start3A_10 = arith.constant 1 : i32
    %dma_start3A_11 = arith.constant 0 : i32
    %dma_start3A_12 = tpu.memref_slice %arg3[%add3A, %dma_start3A_10, %dma_start3A_11] : memref<32x159x64xi32, #tpu.memory_space<hbm>> -> memref<1x1x64xi32, #tpu.memory_space<hbm>>
    %dma_start3A_13 = tpu.memref_squeeze %dma_start3A_12 : memref<1x1x64xi32, #tpu.memory_space<hbm>> -> memref<1x64xi32, #tpu.memory_space<hbm>>
    %dma_start3A_14 = arith.constant 1 : i32
    %dma_start3A_15 = arith.constant 0 : i32
    %dma_start3A_16 = tpu.memref_slice %arg3[%add3A, %dma_start3A_14, %dma_start3A_15] : memref<32x159x64xi32, #tpu.memory_space<hbm>> -> memref<1x1x64xi32, #tpu.memory_space<hbm>>
    %dma_start3A_17 = tpu.memref_squeeze %dma_start3A_16 : memref<1x1x64xi32, #tpu.memory_space<hbm>> -> memref<1x64xi32, #tpu.memory_space<hbm>>
    tpu.enqueue_dma source(%dma_start3A_17 : memref<1x64xi32, #tpu.memory_space<hbm>>) target(%arg8 : memref<1x64xi32, #tpu.memory_space<vmem>>) target_semaphore(%arg16 : memref<!tpu.dma_semaphore, #tpu.memory_space<semaphore_mem>>)
    %dma_start3A_18 = arith.constant 2 : i32
    %dma_start3A_19 = arith.constant 0 : i32
    %dma_start3A_20 = tpu.memref_slice %arg3[%add3A, %dma_start3A_18, %dma_start3A_19] : memref<32x159x64xi32, #tpu.memory_space<hbm>> -> memref<1x1x64xi32, #tpu.memory_space<hbm>>
    %dma_start3A_21 = tpu.memref_squeeze %dma_start3A_20 : memref<1x1x64xi32, #tpu.memory_space<hbm>> -> memref<1x64xi32, #tpu.memory_space<hbm>>
    %dma_start3A_22 = arith.constant 2 : i32
    %dma_start3A_23 = arith.constant 0 : i32
    %dma_start3A_24 = tpu.memref_slice %arg3[%add3A, %dma_start3A_22, %dma_start3A_23] : memref<32x159x64xi32, #tpu.memory_space<hbm>> -> memref<1x1x64xi32, #tpu.memory_space<hbm>>
    %dma_start3A_25 = tpu.memref_squeeze %dma_start3A_24 : memref<1x1x64xi32, #tpu.memory_space<hbm>> -> memref<1x64xi32, #tpu.memory_space<hbm>>
    tpu.enqueue_dma source(%dma_start3A_25 : memref<1x64xi32, #tpu.memory_space<hbm>>) target(%arg9 : memref<1x64xi32, #tpu.memory_space<vmem>>) target_semaphore(%arg17 : memref<!tpu.dma_semaphore, #tpu.memory_space<semaphore_mem>>)
    %dma_wait3A = arith.constant 0 : i32
    %dma_wait3A_26 = arith.constant 0 : i32
    %dma_wait3A_27 = tpu.memref_slice %arg3[%add3A, %dma_wait3A, %dma_wait3A_26] : memref<32x159x64xi32, #tpu.memory_space<hbm>> -> memref<1x1x64xi32, #tpu.memory_space<hbm>>
    %dma_wait3A_28 = tpu.memref_squeeze %dma_wait3A_27 : memref<1x1x64xi32, #tpu.memory_space<hbm>> -> memref<1x64xi32, #tpu.memory_space<hbm>>
    %dma_wait3A_29 = arith.constant 0 : i32
    %dma_wait3A_30 = arith.constant 0 : i32
    %dma_wait3A_31 = tpu.memref_slice %arg3[%add3A, %dma_wait3A_29, %dma_wait3A_30] : memref<32x159x64xi32, #tpu.memory_space<hbm>> -> memref<1x1x64xi32, #tpu.memory_space<hbm>>
    %dma_wait3A_32 = tpu.memref_squeeze %dma_wait3A_31 : memref<1x1x64xi32, #tpu.memory_space<hbm>> -> memref<1x64xi32, #tpu.memory_space<hbm>>
    tpu.wait_dma2 semaphore(%arg15 : memref<!tpu.dma_semaphore, #tpu.memory_space<semaphore_mem>>) src(%dma_wait3A_32 : memref<1x64xi32, #tpu.memory_space<hbm>>) dst(%arg7 : memref<1x64xi32, #tpu.memory_space<vmem>>)
    %dma_start3A_33 = arith.constant 0 : i32
    %dma_start3A_34 = arith.constant 0 : i32
    %dma_start3A_35 = tpu.memref_slice %arg7[%dma_start3A_33, %dma_start3A_34] : memref<1x64xi32, #tpu.memory_space<vmem>> -> memref<1x64xi32, #tpu.memory_space<vmem>>
    %dma_start3A_36 = tpu.memref_squeeze %dma_start3A_35 : memref<1x64xi32, #tpu.memory_space<vmem>> -> memref<64xi32, #tpu.memory_space<vmem>>
    %dma_start3A_37 = arith.constant 0 : i32
    %dma_start3A_38 = arith.constant 0 : i32
    %dma_start3A_39 = tpu.memref_slice %arg2[%dma_start3A_37, %dma_start3A_38] : memref<10240x128xf32, #tpu.memory_space<hbm>> -> memref<10240x128xf32, #tpu.memory_space<hbm>>
    tpu.enqueue_indirect_dma source(%dma_start3A_39 : memref<10240x128xf32, #tpu.memory_space<hbm>>) target(%arg11 : memref<64x128xf32, #tpu.memory_space<vmem>>) offsets(%dma_start3A_36 : memref<64xi32, #tpu.memory_space<vmem>>) semaphore(%arg18 : memref<!tpu.dma_semaphore, #tpu.memory_space<semaphore_mem>>)
    %scan3A = arith.constant 0 : i32
    %scan3A_40 = arith.constant 0 : i32
    %scan3A_41 = arith.constant 53 : i32
    %scan3A_42 = arith.addi %scan3A_40, %scan3A_41 : i32
    %scan3A_43 = arith.constant 1 : i32
    scf.for %scan3A_67 = %scan3A_40 to %scan3A_42 step %scan3A_43  : i32 {
      %mul3A_68 = arith.constant 3 : i32
      %mul3A_69 = arith.muli %scan3A_67, %mul3A_68 : i32
      %add3A_70 = arith.constant 0 : i32
      %add3A_71 = arith.addi %mul3A_69, %add3A_70 : i32
      %add3A_72 = arith.constant 1 : i32
      %add3A_73 = arith.addi %add3A_71, %add3A_72 : i32
      %dma_wait3A_74 = arith.constant 0 : i32
      %dma_wait3A_75 = arith.constant 0 : i32
      %dma_wait3A_76 = tpu.memref_slice %arg7[%dma_wait3A_74, %dma_wait3A_75] : memref<1x64xi32, #tpu.memory_space<vmem>> -> memref<1x64xi32, #tpu.memory_space<vmem>>
      %dma_wait3A_77 = tpu.memref_squeeze %dma_wait3A_76 : memref<1x64xi32, #tpu.memory_space<vmem>> -> memref<64xi32, #tpu.memory_space<vmem>>
      %dma_wait3A_78 = arith.constant 0 : i32
      %dma_wait3A_79 = arith.constant 0 : i32
      %dma_wait3A_80 = tpu.memref_slice %arg2[%dma_wait3A_78, %dma_wait3A_79] : memref<10240x128xf32, #tpu.memory_space<hbm>> -> memref<10240x128xf32, #tpu.memory_space<hbm>>
      tpu.wait_indirect_dma semaphore(%arg18 : memref<!tpu.dma_semaphore, #tpu.memory_space<semaphore_mem>>) src(%dma_wait3A_80 : memref<10240x128xf32, #tpu.memory_space<hbm>>) dst(%arg11 : memref<64x128xf32, #tpu.memory_space<vmem>>)
      %add3A_81 = arith.constant 3 : i32
      %add3A_82 = arith.addi %add3A_71, %add3A_81 : i32
      %lt3A = arith.constant 159 : i32
      %lt3A_83 = arith.cmpi slt, %add3A_82, %lt3A : i32
      %convert_element_type3A = arith.extui %lt3A_83 : i1 to i32
      %cond3A = arith.constant 0 : i32
      %cond3A_84 = arith.cmpi ne, %convert_element_type3A, %cond3A : i32
      scf.if %cond3A_84 {
        %add3A_158 = arith.constant 3 : i32
        %add3A_159 = arith.addi %add3A_71, %add3A_158 : i32
        %dma_start3A_160 = arith.constant 0 : i32
        %dma_start3A_161 = tpu.memref_slice %arg3[%add3A, %add3A_159, %dma_start3A_160] : memref<32x159x64xi32, #tpu.memory_space<hbm>> -> memref<1x1x64xi32, #tpu.memory_space<hbm>>
        %dma_start3A_162 = tpu.memref_squeeze %dma_start3A_161 : memref<1x1x64xi32, #tpu.memory_space<hbm>> -> memref<1x64xi32, #tpu.memory_space<hbm>>
        %dma_start3A_163 = arith.constant 0 : i32
        %dma_start3A_164 = tpu.memref_slice %arg3[%add3A, %add3A_159, %dma_start3A_163] : memref<32x159x64xi32, #tpu.memory_space<hbm>> -> memref<1x1x64xi32, #tpu.memory_space<hbm>>
        %dma_start3A_165 = tpu.memref_squeeze %dma_start3A_164 : memref<1x1x64xi32, #tpu.memory_space<hbm>> -> memref<1x64xi32, #tpu.memory_space<hbm>>
        tpu.enqueue_dma source(%dma_start3A_165 : memref<1x64xi32, #tpu.memory_space<hbm>>) target(%arg7 : memref<1x64xi32, #tpu.memory_space<vmem>>) target_semaphore(%arg15 : memref<!tpu.dma_semaphore, #tpu.memory_space<semaphore_mem>>)
      } else {
      }
      %dma_start3A_85 = arith.constant 0 : i32
      %dma_start3A_86 = tpu.memref_slice %arg10[%add3A_71, %dma_start3A_85] : memref<159x64xi32, #tpu.memory_space<vmem>> -> memref<1x64xi32, #tpu.memory_space<vmem>>
      %dma_start3A_87 = tpu.memref_squeeze %dma_start3A_86 : memref<1x64xi32, #tpu.memory_space<vmem>> -> memref<64xi32, #tpu.memory_space<vmem>>
      %dma_start3A_88 = arith.constant 0 : i32
      %dma_start3A_89 = arith.constant 0 : i32
      %dma_start3A_90 = tpu.memref_slice %arg14[%dma_start3A_88, %dma_start3A_89] : memref<10240x128xf32, #tpu.memory_space<vmem_shared>> -> memref<10240x128xf32, #tpu.memory_space<vmem_shared>>
      tpu.enqueue_indirect_dma source(%arg11 : memref<64x128xf32, #tpu.memory_space<vmem>>) target(%dma_start3A_90 : memref<10240x128xf32, #tpu.memory_space<vmem_shared>>) offsets(%dma_start3A_87 : memref<64xi32, #tpu.memory_space<vmem>>) semaphore(%arg21 : memref<!tpu.dma_semaphore, #tpu.memory_space<semaphore_mem>>) {add = true}
      %lt3A_91 = arith.constant 159 : i32
      %lt3A_92 = arith.cmpi slt, %add3A_73, %lt3A_91 : i32
      %convert_element_type3A_93 = arith.extui %lt3A_92 : i1 to i32
      %cond3A_94 = arith.constant 0 : i32
      %cond3A_95 = arith.cmpi ne, %convert_element_type3A_93, %cond3A_94 : i32
      scf.if %cond3A_95 {
        %ge3A = arith.constant 3 : i32
        %ge3A_158 = arith.cmpi sge, %add3A_73, %ge3A : i32
        %convert_element_type3A_159 = arith.extui %ge3A_158 : i1 to i32
        %cond3A_160 = arith.constant 0 : i32
        %cond3A_161 = arith.cmpi ne, %convert_element_type3A_159, %cond3A_160 : i32
        scf.if %cond3A_161 {
          %sub3A = arith.constant 3 : i32
          %sub3A_175 = arith.subi %add3A_73, %sub3A : i32
          %dma_wait3A_176 = arith.constant 0 : i32
          %dma_wait3A_177 = tpu.memref_slice %arg10[%sub3A_175, %dma_wait3A_176] : memref<159x64xi32, #tpu.memory_space<vmem>> -> memref<1x64xi32, #tpu.memory_space<vmem>>
          %dma_wait3A_178 = tpu.memref_squeeze %dma_wait3A_177 : memref<1x64xi32, #tpu.memory_space<vmem>> -> memref<64xi32, #tpu.memory_space<vmem>>
          %dma_wait3A_179 = arith.constant 0 : i32
          %dma_wait3A_180 = arith.constant 0 : i32
          %dma_wait3A_181 = tpu.memref_slice %arg14[%dma_wait3A_179, %dma_wait3A_180] : memref<10240x128xf32, #tpu.memory_space<vmem_shared>> -> memref<10240x128xf32, #tpu.memory_space<vmem_shared>>
          tpu.wait_indirect_dma semaphore(%arg22 : memref<!tpu.dma_semaphore, #tpu.memory_space<semaphore_mem>>) src(%arg12 : memref<64x128xf32, #tpu.memory_space<vmem>>) dst(%dma_wait3A_181 : memref<10240x128xf32, #tpu.memory_space<vmem_shared>>)
        } else {
        }
        %dma_wait3A_162 = arith.constant 0 : i32
        %dma_wait3A_163 = tpu.memref_slice %arg3[%add3A, %add3A_73, %dma_wait3A_162] : memref<32x159x64xi32, #tpu.memory_space<hbm>> -> memref<1x1x64xi32, #tpu.memory_space<hbm>>
        %dma_wait3A_164 = tpu.memref_squeeze %dma_wait3A_163 : memref<1x1x64xi32, #tpu.memory_space<hbm>> -> memref<1x64xi32, #tpu.memory_space<hbm>>
        %dma_wait3A_165 = arith.constant 0 : i32
        %dma_wait3A_166 = tpu.memref_slice %arg3[%add3A, %add3A_73, %dma_wait3A_165] : memref<32x159x64xi32, #tpu.memory_space<hbm>> -> memref<1x1x64xi32, #tpu.memory_space<hbm>>
        %dma_wait3A_167 = tpu.memref_squeeze %dma_wait3A_166 : memref<1x1x64xi32, #tpu.memory_space<hbm>> -> memref<1x64xi32, #tpu.memory_space<hbm>>
        tpu.wait_dma2 semaphore(%arg16 : memref<!tpu.dma_semaphore, #tpu.memory_space<semaphore_mem>>) src(%dma_wait3A_167 : memref<1x64xi32, #tpu.memory_space<hbm>>) dst(%arg8 : memref<1x64xi32, #tpu.memory_space<vmem>>)
        %dma_start3A_168 = arith.constant 0 : i32
        %dma_start3A_169 = arith.constant 0 : i32
        %dma_start3A_170 = tpu.memref_slice %arg8[%dma_start3A_168, %dma_start3A_169] : memref<1x64xi32, #tpu.memory_space<vmem>> -> memref<1x64xi32, #tpu.memory_space<vmem>>
        %dma_start3A_171 = tpu.memref_squeeze %dma_start3A_170 : memref<1x64xi32, #tpu.memory_space<vmem>> -> memref<64xi32, #tpu.memory_space<vmem>>
        %dma_start3A_172 = arith.constant 0 : i32
        %dma_start3A_173 = arith.constant 0 : i32
        %dma_start3A_174 = tpu.memref_slice %arg2[%dma_start3A_172, %dma_start3A_173] : memref<10240x128xf32, #tpu.memory_space<hbm>> -> memref<10240x128xf32, #tpu.memory_space<hbm>>
        tpu.enqueue_indirect_dma source(%dma_start3A_174 : memref<10240x128xf32, #tpu.memory_space<hbm>>) target(%arg12 : memref<64x128xf32, #tpu.memory_space<vmem>>) offsets(%dma_start3A_171 : memref<64xi32, #tpu.memory_space<vmem>>) semaphore(%arg19 : memref<!tpu.dma_semaphore, #tpu.memory_space<semaphore_mem>>)
      } else {
      }
      %mul3A_96 = arith.constant 3 : i32
      %mul3A_97 = arith.muli %scan3A_67, %mul3A_96 : i32
      %add3A_98 = arith.constant 1 : i32
      %add3A_99 = arith.addi %mul3A_97, %add3A_98 : i32
      %add3A_100 = arith.constant 1 : i32
      %add3A_101 = arith.addi %add3A_99, %add3A_100 : i32
      %dma_wait3A_102 = arith.constant 0 : i32
      %dma_wait3A_103 = arith.constant 0 : i32
      %dma_wait3A_104 = tpu.memref_slice %arg8[%dma_wait3A_102, %dma_wait3A_103] : memref<1x64xi32, #tpu.memory_space<vmem>> -> memref<1x64xi32, #tpu.memory_space<vmem>>
      %dma_wait3A_105 = tpu.memref_squeeze %dma_wait3A_104 : memref<1x64xi32, #tpu.memory_space<vmem>> -> memref<64xi32, #tpu.memory_space<vmem>>
      %dma_wait3A_106 = arith.constant 0 : i32
      %dma_wait3A_107 = arith.constant 0 : i32
      %dma_wait3A_108 = tpu.memref_slice %arg2[%dma_wait3A_106, %dma_wait3A_107] : memref<10240x128xf32, #tpu.memory_space<hbm>> -> memref<10240x128xf32, #tpu.memory_space<hbm>>
      tpu.wait_indirect_dma semaphore(%arg19 : memref<!tpu.dma_semaphore, #tpu.memory_space<semaphore_mem>>) src(%dma_wait3A_108 : memref<10240x128xf32, #tpu.memory_space<hbm>>) dst(%arg12 : memref<64x128xf32, #tpu.memory_space<vmem>>)
      %add3A_109 = arith.constant 3 : i32
      %add3A_110 = arith.addi %add3A_99, %add3A_109 : i32
      %lt3A_111 = arith.constant 159 : i32
      %lt3A_112 = arith.cmpi slt, %add3A_110, %lt3A_111 : i32
      %convert_element_type3A_113 = arith.extui %lt3A_112 : i1 to i32
      %cond3A_114 = arith.constant 0 : i32
      %cond3A_115 = arith.cmpi ne, %convert_element_type3A_113, %cond3A_114 : i32
      scf.if %cond3A_115 {
        %add3A_158 = arith.constant 3 : i32
        %add3A_159 = arith.addi %add3A_99, %add3A_158 : i32
        %dma_start3A_160 = arith.constant 0 : i32
        %dma_start3A_161 = tpu.memref_slice %arg3[%add3A, %add3A_159, %dma_start3A_160] : memref<32x159x64xi32, #tpu.memory_space<hbm>> -> memref<1x1x64xi32, #tpu.memory_space<hbm>>
        %dma_start3A_162 = tpu.memref_squeeze %dma_start3A_161 : memref<1x1x64xi32, #tpu.memory_space<hbm>> -> memref<1x64xi32, #tpu.memory_space<hbm>>
        %dma_start3A_163 = arith.constant 0 : i32
        %dma_start3A_164 = tpu.memref_slice %arg3[%add3A, %add3A_159, %dma_start3A_163] : memref<32x159x64xi32, #tpu.memory_space<hbm>> -> memref<1x1x64xi32, #tpu.memory_space<hbm>>
        %dma_start3A_165 = tpu.memref_squeeze %dma_start3A_164 : memref<1x1x64xi32, #tpu.memory_space<hbm>> -> memref<1x64xi32, #tpu.memory_space<hbm>>
        tpu.enqueue_dma source(%dma_start3A_165 : memref<1x64xi32, #tpu.memory_space<hbm>>) target(%arg8 : memref<1x64xi32, #tpu.memory_space<vmem>>) target_semaphore(%arg16 : memref<!tpu.dma_semaphore, #tpu.memory_space<semaphore_mem>>)
      } else {
      }
      %dma_start3A_116 = arith.constant 0 : i32
      %dma_start3A_117 = tpu.memref_slice %arg10[%add3A_99, %dma_start3A_116] : memref<159x64xi32, #tpu.memory_space<vmem>> -> memref<1x64xi32, #tpu.memory_space<vmem>>
      %dma_start3A_118 = tpu.memref_squeeze %dma_start3A_117 : memref<1x64xi32, #tpu.memory_space<vmem>> -> memref<64xi32, #tpu.memory_space<vmem>>
      %dma_start3A_119 = arith.constant 0 : i32
      %dma_start3A_120 = arith.constant 0 : i32
      %dma_start3A_121 = tpu.memref_slice %arg14[%dma_start3A_119, %dma_start3A_120] : memref<10240x128xf32, #tpu.memory_space<vmem_shared>> -> memref<10240x128xf32, #tpu.memory_space<vmem_shared>>
      tpu.enqueue_indirect_dma source(%arg12 : memref<64x128xf32, #tpu.memory_space<vmem>>) target(%dma_start3A_121 : memref<10240x128xf32, #tpu.memory_space<vmem_shared>>) offsets(%dma_start3A_118 : memref<64xi32, #tpu.memory_space<vmem>>) semaphore(%arg22 : memref<!tpu.dma_semaphore, #tpu.memory_space<semaphore_mem>>) {add = true}
      %lt3A_122 = arith.constant 159 : i32
      %lt3A_123 = arith.cmpi slt, %add3A_101, %lt3A_122 : i32
      %convert_element_type3A_124 = arith.extui %lt3A_123 : i1 to i32
      %cond3A_125 = arith.constant 0 : i32
      %cond3A_126 = arith.cmpi ne, %convert_element_type3A_124, %cond3A_125 : i32
      scf.if %cond3A_126 {
        %ge3A = arith.constant 3 : i32
        %ge3A_158 = arith.cmpi sge, %add3A_101, %ge3A : i32
        %convert_element_type3A_159 = arith.extui %ge3A_158 : i1 to i32
        %cond3A_160 = arith.constant 0 : i32
        %cond3A_161 = arith.cmpi ne, %convert_element_type3A_159, %cond3A_160 : i32
        scf.if %cond3A_161 {
          %sub3A = arith.constant 3 : i32
          %sub3A_175 = arith.subi %add3A_101, %sub3A : i32
          %dma_wait3A_176 = arith.constant 0 : i32
          %dma_wait3A_177 = tpu.memref_slice %arg10[%sub3A_175, %dma_wait3A_176] : memref<159x64xi32, #tpu.memory_space<vmem>> -> memref<1x64xi32, #tpu.memory_space<vmem>>
          %dma_wait3A_178 = tpu.memref_squeeze %dma_wait3A_177 : memref<1x64xi32, #tpu.memory_space<vmem>> -> memref<64xi32, #tpu.memory_space<vmem>>
          %dma_wait3A_179 = arith.constant 0 : i32
          %dma_wait3A_180 = arith.constant 0 : i32
          %dma_wait3A_181 = tpu.memref_slice %arg14[%dma_wait3A_179, %dma_wait3A_180] : memref<10240x128xf32, #tpu.memory_space<vmem_shared>> -> memref<10240x128xf32, #tpu.memory_space<vmem_shared>>
          tpu.wait_indirect_dma semaphore(%arg23 : memref<!tpu.dma_semaphore, #tpu.memory_space<semaphore_mem>>) src(%arg13 : memref<64x128xf32, #tpu.memory_space<vmem>>) dst(%dma_wait3A_181 : memref<10240x128xf32, #tpu.memory_space<vmem_shared>>)
        } else {
        }
        %dma_wait3A_162 = arith.constant 0 : i32
        %dma_wait3A_163 = tpu.memref_slice %arg3[%add3A, %add3A_101, %dma_wait3A_162] : memref<32x159x64xi32, #tpu.memory_space<hbm>> -> memref<1x1x64xi32, #tpu.memory_space<hbm>>
        %dma_wait3A_164 = tpu.memref_squeeze %dma_wait3A_163 : memref<1x1x64xi32, #tpu.memory_space<hbm>> -> memref<1x64xi32, #tpu.memory_space<hbm>>
        %dma_wait3A_165 = arith.constant 0 : i32
        %dma_wait3A_166 = tpu.memref_slice %arg3[%add3A, %add3A_101, %dma_wait3A_165] : memref<32x159x64xi32, #tpu.memory_space<hbm>> -> memref<1x1x64xi32, #tpu.memory_space<hbm>>
        %dma_wait3A_167 = tpu.memref_squeeze %dma_wait3A_166 : memref<1x1x64xi32, #tpu.memory_space<hbm>> -> memref<1x64xi32, #tpu.memory_space<hbm>>
        tpu.wait_dma2 semaphore(%arg17 : memref<!tpu.dma_semaphore, #tpu.memory_space<semaphore_mem>>) src(%dma_wait3A_167 : memref<1x64xi32, #tpu.memory_space<hbm>>) dst(%arg9 : memref<1x64xi32, #tpu.memory_space<vmem>>)
        %dma_start3A_168 = arith.constant 0 : i32
        %dma_start3A_169 = arith.constant 0 : i32
        %dma_start3A_170 = tpu.memref_slice %arg9[%dma_start3A_168, %dma_start3A_169] : memref<1x64xi32, #tpu.memory_space<vmem>> -> memref<1x64xi32, #tpu.memory_space<vmem>>
        %dma_start3A_171 = tpu.memref_squeeze %dma_start3A_170 : memref<1x64xi32, #tpu.memory_space<vmem>> -> memref<64xi32, #tpu.memory_space<vmem>>
        %dma_start3A_172 = arith.constant 0 : i32
        %dma_start3A_173 = arith.constant 0 : i32
        %dma_start3A_174 = tpu.memref_slice %arg2[%dma_start3A_172, %dma_start3A_173] : memref<10240x128xf32, #tpu.memory_space<hbm>> -> memref<10240x128xf32, #tpu.memory_space<hbm>>
        tpu.enqueue_indirect_dma source(%dma_start3A_174 : memref<10240x128xf32, #tpu.memory_space<hbm>>) target(%arg13 : memref<64x128xf32, #tpu.memory_space<vmem>>) offsets(%dma_start3A_171 : memref<64xi32, #tpu.memory_space<vmem>>) semaphore(%arg20 : memref<!tpu.dma_semaphore, #tpu.memory_space<semaphore_mem>>)
      } else {
      }
      %mul3A_127 = arith.constant 3 : i32
      %mul3A_128 = arith.muli %scan3A_67, %mul3A_127 : i32
      %add3A_129 = arith.constant 2 : i32
      %add3A_130 = arith.addi %mul3A_128, %add3A_129 : i32
      %add3A_131 = arith.constant 1 : i32
      %add3A_132 = arith.addi %add3A_130, %add3A_131 : i32
      %dma_wait3A_133 = arith.constant 0 : i32
      %dma_wait3A_134 = arith.constant 0 : i32
      %dma_wait3A_135 = tpu.memref_slice %arg9[%dma_wait3A_133, %dma_wait3A_134] : memref<1x64xi32, #tpu.memory_space<vmem>> -> memref<1x64xi32, #tpu.memory_space<vmem>>
      %dma_wait3A_136 = tpu.memref_squeeze %dma_wait3A_135 : memref<1x64xi32, #tpu.memory_space<vmem>> -> memref<64xi32, #tpu.memory_space<vmem>>
      %dma_wait3A_137 = arith.constant 0 : i32
      %dma_wait3A_138 = arith.constant 0 : i32
      %dma_wait3A_139 = tpu.memref_slice %arg2[%dma_wait3A_137, %dma_wait3A_138] : memref<10240x128xf32, #tpu.memory_space<hbm>> -> memref<10240x128xf32, #tpu.memory_space<hbm>>
      tpu.wait_indirect_dma semaphore(%arg20 : memref<!tpu.dma_semaphore, #tpu.memory_space<semaphore_mem>>) src(%dma_wait3A_139 : memref<10240x128xf32, #tpu.memory_space<hbm>>) dst(%arg13 : memref<64x128xf32, #tpu.memory_space<vmem>>)
      %add3A_140 = arith.constant 3 : i32
      %add3A_141 = arith.addi %add3A_130, %add3A_140 : i32
      %lt3A_142 = arith.constant 159 : i32
      %lt3A_143 = arith.cmpi slt, %add3A_141, %lt3A_142 : i32
      %convert_element_type3A_144 = arith.extui %lt3A_143 : i1 to i32
      %cond3A_145 = arith.constant 0 : i32
      %cond3A_146 = arith.cmpi ne, %convert_element_type3A_144, %cond3A_145 : i32
      scf.if %cond3A_146 {
        %add3A_158 = arith.constant 3 : i32
        %add3A_159 = arith.addi %add3A_130, %add3A_158 : i32
        %dma_start3A_160 = arith.constant 0 : i32
        %dma_start3A_161 = tpu.memref_slice %arg3[%add3A, %add3A_159, %dma_start3A_160] : memref<32x159x64xi32, #tpu.memory_space<hbm>> -> memref<1x1x64xi32, #tpu.memory_space<hbm>>
        %dma_start3A_162 = tpu.memref_squeeze %dma_start3A_161 : memref<1x1x64xi32, #tpu.memory_space<hbm>> -> memref<1x64xi32, #tpu.memory_space<hbm>>
        %dma_start3A_163 = arith.constant 0 : i32
        %dma_start3A_164 = tpu.memref_slice %arg3[%add3A, %add3A_159, %dma_start3A_163] : memref<32x159x64xi32, #tpu.memory_space<hbm>> -> memref<1x1x64xi32, #tpu.memory_space<hbm>>
        %dma_start3A_165 = tpu.memref_squeeze %dma_start3A_164 : memref<1x1x64xi32, #tpu.memory_space<hbm>> -> memref<1x64xi32, #tpu.memory_space<hbm>>
        tpu.enqueue_dma source(%dma_start3A_165 : memref<1x64xi32, #tpu.memory_space<hbm>>) target(%arg9 : memref<1x64xi32, #tpu.memory_space<vmem>>) target_semaphore(%arg17 : memref<!tpu.dma_semaphore, #tpu.memory_space<semaphore_mem>>)
      } else {
      }
      %dma_start3A_147 = arith.constant 0 : i32
      %dma_start3A_148 = tpu.memref_slice %arg10[%add3A_130, %dma_start3A_147] : memref<159x64xi32, #tpu.memory_space<vmem>> -> memref<1x64xi32, #tpu.memory_space<vmem>>
      %dma_start3A_149 = tpu.memref_squeeze %dma_start3A_148 : memref<1x64xi32, #tpu.memory_space<vmem>> -> memref<64xi32, #tpu.memory_space<vmem>>
      %dma_start3A_150 = arith.constant 0 : i32
      %dma_start3A_151 = arith.constant 0 : i32
      %dma_start3A_152 = tpu.memref_slice %arg14[%dma_start3A_150, %dma_start3A_151] : memref<10240x128xf32, #tpu.memory_space<vmem_shared>> -> memref<10240x128xf32, #tpu.memory_space<vmem_shared>>
      tpu.enqueue_indirect_dma source(%arg13 : memref<64x128xf32, #tpu.memory_space<vmem>>) target(%dma_start3A_152 : memref<10240x128xf32, #tpu.memory_space<vmem_shared>>) offsets(%dma_start3A_149 : memref<64xi32, #tpu.memory_space<vmem>>) semaphore(%arg23 : memref<!tpu.dma_semaphore, #tpu.memory_space<semaphore_mem>>) {add = true}
      %lt3A_153 = arith.constant 159 : i32
      %lt3A_154 = arith.cmpi slt, %add3A_132, %lt3A_153 : i32
      %convert_element_type3A_155 = arith.extui %lt3A_154 : i1 to i32
      %cond3A_156 = arith.constant 0 : i32
      %cond3A_157 = arith.cmpi ne, %convert_element_type3A_155, %cond3A_156 : i32
      scf.if %cond3A_157 {
        %ge3A = arith.constant 3 : i32
        %ge3A_158 = arith.cmpi sge, %add3A_132, %ge3A : i32
        %convert_element_type3A_159 = arith.extui %ge3A_158 : i1 to i32
        %cond3A_160 = arith.constant 0 : i32
        %cond3A_161 = arith.cmpi ne, %convert_element_type3A_159, %cond3A_160 : i32
        scf.if %cond3A_161 {
          %sub3A = arith.constant 3 : i32
          %sub3A_175 = arith.subi %add3A_132, %sub3A : i32
          %dma_wait3A_176 = arith.constant 0 : i32
          %dma_wait3A_177 = tpu.memref_slice %arg10[%sub3A_175, %dma_wait3A_176] : memref<159x64xi32, #tpu.memory_space<vmem>> -> memref<1x64xi32, #tpu.memory_space<vmem>>
          %dma_wait3A_178 = tpu.memref_squeeze %dma_wait3A_177 : memref<1x64xi32, #tpu.memory_space<vmem>> -> memref<64xi32, #tpu.memory_space<vmem>>
          %dma_wait3A_179 = arith.constant 0 : i32
          %dma_wait3A_180 = arith.constant 0 : i32
          %dma_wait3A_181 = tpu.memref_slice %arg14[%dma_wait3A_179, %dma_wait3A_180] : memref<10240x128xf32, #tpu.memory_space<vmem_shared>> -> memref<10240x128xf32, #tpu.memory_space<vmem_shared>>
          tpu.wait_indirect_dma semaphore(%arg21 : memref<!tpu.dma_semaphore, #tpu.memory_space<semaphore_mem>>) src(%arg11 : memref<64x128xf32, #tpu.memory_space<vmem>>) dst(%dma_wait3A_181 : memref<10240x128xf32, #tpu.memory_space<vmem_shared>>)
        } else {
        }
        %dma_wait3A_162 = arith.constant 0 : i32
        %dma_wait3A_163 = tpu.memref_slice %arg3[%add3A, %add3A_132, %dma_wait3A_162] : memref<32x159x64xi32, #tpu.memory_space<hbm>> -> memref<1x1x64xi32, #tpu.memory_space<hbm>>
        %dma_wait3A_164 = tpu.memref_squeeze %dma_wait3A_163 : memref<1x1x64xi32, #tpu.memory_space<hbm>> -> memref<1x64xi32, #tpu.memory_space<hbm>>
        %dma_wait3A_165 = arith.constant 0 : i32
        %dma_wait3A_166 = tpu.memref_slice %arg3[%add3A, %add3A_132, %dma_wait3A_165] : memref<32x159x64xi32, #tpu.memory_space<hbm>> -> memref<1x1x64xi32, #tpu.memory_space<hbm>>
        %dma_wait3A_167 = tpu.memref_squeeze %dma_wait3A_166 : memref<1x1x64xi32, #tpu.memory_space<hbm>> -> memref<1x64xi32, #tpu.memory_space<hbm>>
        tpu.wait_dma2 semaphore(%arg15 : memref<!tpu.dma_semaphore, #tpu.memory_space<semaphore_mem>>) src(%dma_wait3A_167 : memref<1x64xi32, #tpu.memory_space<hbm>>) dst(%arg7 : memref<1x64xi32, #tpu.memory_space<vmem>>)
        %dma_start3A_168 = arith.constant 0 : i32
        %dma_start3A_169 = arith.constant 0 : i32
        %dma_start3A_170 = tpu.memref_slice %arg7[%dma_start3A_168, %dma_start3A_169] : memref<1x64xi32, #tpu.memory_space<vmem>> -> memref<1x64xi32, #tpu.memory_space<vmem>>
        %dma_start3A_171 = tpu.memref_squeeze %dma_start3A_170 : memref<1x64xi32, #tpu.memory_space<vmem>> -> memref<64xi32, #tpu.memory_space<vmem>>
        %dma_start3A_172 = arith.constant 0 : i32
        %dma_start3A_173 = arith.constant 0 : i32
        %dma_start3A_174 = tpu.memref_slice %arg2[%dma_start3A_172, %dma_start3A_173] : memref<10240x128xf32, #tpu.memory_space<hbm>> -> memref<10240x128xf32, #tpu.memory_space<hbm>>
        tpu.enqueue_indirect_dma source(%dma_start3A_174 : memref<10240x128xf32, #tpu.memory_space<hbm>>) target(%arg11 : memref<64x128xf32, #tpu.memory_space<vmem>>) offsets(%dma_start3A_171 : memref<64xi32, #tpu.memory_space<vmem>>) semaphore(%arg18 : memref<!tpu.dma_semaphore, #tpu.memory_space<semaphore_mem>>)
      } else {
      }
    }
    %scan3A_44 = arith.constant 53 : i32
    %dma_wait3A_45 = arith.constant 156 : i32
    %dma_wait3A_46 = arith.constant 0 : i32
    %dma_wait3A_47 = tpu.memref_slice %arg10[%dma_wait3A_45, %dma_wait3A_46] : memref<159x64xi32, #tpu.memory_space<vmem>> -> memref<1x64xi32, #tpu.memory_space<vmem>>
    %dma_wait3A_48 = tpu.memref_squeeze %dma_wait3A_47 : memref<1x64xi32, #tpu.memory_space<vmem>> -> memref<64xi32, #tpu.memory_space<vmem>>
    %dma_wait3A_49 = arith.constant 0 : i32
    %dma_wait3A_50 = arith.constant 0 : i32
    %dma_wait3A_51 = tpu.memref_slice %arg14[%dma_wait3A_49, %dma_wait3A_50] : memref<10240x128xf32, #tpu.memory_space<vmem_shared>> -> memref<10240x128xf32, #tpu.memory_space<vmem_shared>>
    tpu.wait_indirect_dma semaphore(%arg21 : memref<!tpu.dma_semaphore, #tpu.memory_space<semaphore_mem>>) src(%arg11 : memref<64x128xf32, #tpu.memory_space<vmem>>) dst(%dma_wait3A_51 : memref<10240x128xf32, #tpu.memory_space<vmem_shared>>)
    %dma_wait3A_52 = arith.constant 157 : i32
    %dma_wait3A_53 = arith.constant 0 : i32
    %dma_wait3A_54 = tpu.memref_slice %arg10[%dma_wait3A_52, %dma_wait3A_53] : memref<159x64xi32, #tpu.memory_space<vmem>> -> memref<1x64xi32, #tpu.memory_space<vmem>>
    %dma_wait3A_55 = tpu.memref_squeeze %dma_wait3A_54 : memref<1x64xi32, #tpu.memory_space<vmem>> -> memref<64xi32, #tpu.memory_space<vmem>>
    %dma_wait3A_56 = arith.constant 0 : i32
    %dma_wait3A_57 = arith.constant 0 : i32
    %dma_wait3A_58 = tpu.memref_slice %arg14[%dma_wait3A_56, %dma_wait3A_57] : memref<10240x128xf32, #tpu.memory_space<vmem_shared>> -> memref<10240x128xf32, #tpu.memory_space<vmem_shared>>
    tpu.wait_indirect_dma semaphore(%arg22 : memref<!tpu.dma_semaphore, #tpu.memory_space<semaphore_mem>>) src(%arg12 : memref<64x128xf32, #tpu.memory_space<vmem>>) dst(%dma_wait3A_58 : memref<10240x128xf32, #tpu.memory_space<vmem_shared>>)
    %dma_wait3A_59 = arith.constant 158 : i32
    %dma_wait3A_60 = arith.constant 0 : i32
    %dma_wait3A_61 = tpu.memref_slice %arg10[%dma_wait3A_59, %dma_wait3A_60] : memref<159x64xi32, #tpu.memory_space<vmem>> -> memref<1x64xi32, #tpu.memory_space<vmem>>
    %dma_wait3A_62 = tpu.memref_squeeze %dma_wait3A_61 : memref<1x64xi32, #tpu.memory_space<vmem>> -> memref<64xi32, #tpu.memory_space<vmem>>
    %dma_wait3A_63 = arith.constant 0 : i32
    %dma_wait3A_64 = arith.constant 0 : i32
    %dma_wait3A_65 = tpu.memref_slice %arg14[%dma_wait3A_63, %dma_wait3A_64] : memref<10240x128xf32, #tpu.memory_space<vmem_shared>> -> memref<10240x128xf32, #tpu.memory_space<vmem_shared>>
    tpu.wait_indirect_dma semaphore(%arg23 : memref<!tpu.dma_semaphore, #tpu.memory_space<semaphore_mem>>) src(%arg13 : memref<64x128xf32, #tpu.memory_space<vmem>>) dst(%dma_wait3A_65 : memref<10240x128xf32, #tpu.memory_space<vmem_shared>>)
    %barrier3A_66 = arith.constant 0 : index
    tpu.barrier barrier_id(%barrier3A_66)
    "tpu.region"() ({
      %run_scoped3A = tpu.sem_alloc : memref<!tpu.dma_semaphore, #tpu.memory_space<semaphore_mem>>
      %dma_start3A_67 = arith.constant 0 : i32
      %dma_start3A_68 = tpu.memref_slice %arg6[%arg0, %mul3A_2, %dma_start3A_67] : memref<2x10240x128xf32, #tpu.memory_space<hbm>> -> memref<1x640x128xf32, #tpu.memory_space<hbm>>
      %dma_start3A_69 = tpu.memref_squeeze %dma_start3A_68 : memref<1x640x128xf32, #tpu.memory_space<hbm>> -> memref<640x128xf32, #tpu.memory_space<hbm>>
      %dma_start3A_70 = arith.constant 0 : i32
      %dma_start3A_71 = tpu.memref_slice %arg14[%mul3A_2, %dma_start3A_70] : memref<10240x128xf32, #tpu.memory_space<vmem_shared>> -> memref<640x128xf32, #tpu.memory_space<vmem_shared>>
      tpu.enqueue_dma source(%dma_start3A_71 : memref<640x128xf32, #tpu.memory_space<vmem_shared>>) target(%dma_start3A_69 : memref<640x128xf32, #tpu.memory_space<hbm>>) target_semaphore(%run_scoped3A : memref<!tpu.dma_semaphore, #tpu.memory_space<semaphore_mem>>)
      %dma_wait3A_72 = arith.constant 0 : i32
      %dma_wait3A_73 = tpu.memref_slice %arg6[%arg0, %mul3A_2, %dma_wait3A_72] : memref<2x10240x128xf32, #tpu.memory_space<hbm>> -> memref<1x640x128xf32, #tpu.memory_space<hbm>>
      %dma_wait3A_74 = tpu.memref_squeeze %dma_wait3A_73 : memref<1x640x128xf32, #tpu.memory_space<hbm>> -> memref<640x128xf32, #tpu.memory_space<hbm>>
      %dma_wait3A_75 = arith.constant 0 : i32
      %dma_wait3A_76 = tpu.memref_slice %arg14[%mul3A_2, %dma_wait3A_75] : memref<10240x128xf32, #tpu.memory_space<vmem_shared>> -> memref<640x128xf32, #tpu.memory_space<vmem_shared>>
      tpu.wait_dma2 semaphore(%run_scoped3A : memref<!tpu.dma_semaphore, #tpu.memory_space<semaphore_mem>>) src(%dma_wait3A_76 : memref<640x128xf32, #tpu.memory_space<vmem_shared>>) dst(%dma_wait3A_74 : memref<640x128xf32, #tpu.memory_space<hbm>>)
      tpu.yield
    }) : () -> ()
    return
  }
}

#map = affine_map<(d0, d1) -> (0, 0, 0)>
#map1 = affine_map<(d0, d1) -> (0, 0)>
module attributes {stable_mosaic.version = 14 : i64} {
  func.func @_deg_kernel(%arg0: i32, %arg1: i32, %arg2: memref<32x159x64xi32, #tpu.memory_space<hbm>>, %arg3: memref<64x128xf32, #tpu.memory_space<hbm>>, %arg4: memref<10240x128xf32, #tpu.memory_space<hbm>>, %arg5: memref<2x10240x128xf32, #tpu.memory_space<hbm>>, %arg6: memref<159x64xi32, #tpu.memory_space<vmem>>, %arg7: memref<64x128xf32, #tpu.memory_space<vmem>>, %arg8: memref<10240x128xf32, #tpu.memory_space<vmem_shared>>) attributes {dimension_semantics = [#tpu.dimension_semantics<core_parallel>, #tpu.dimension_semantics<subcore_parallel>], iteration_bounds = array<i64: 2, 16>, scalar_prefetch = 0 : i64, scratch_operands = 3 : i64, tpu.core_type = #tpu.core_type<sc_vector_subcore>, window_params = [{transform_indices = #map}, {transform_indices = #map1}, {transform_indices = #map1}, {transform_indices = #map}]} {
    %mul3A = arith.constant 2 : i32
    %mul3A_0 = arith.muli %arg1, %mul3A : i32
    %add3A = arith.addi %mul3A_0, %arg0 : i32
    %mul3A_1 = arith.constant 640 : i32
    %mul3A_2 = arith.muli %arg1, %mul3A_1 : i32
    "tpu.region"() ({
      %run_scoped3A = tpu.sem_alloc : memref<!tpu.dma_semaphore, #tpu.memory_space<semaphore_mem>>
      %dma_start3A = arith.constant 0 : i32
      %dma_start3A_9 = arith.constant 0 : i32
      %dma_start3A_10 = tpu.memref_slice %arg2[%add3A, %dma_start3A, %dma_start3A_9] : memref<32x159x64xi32, #tpu.memory_space<hbm>> -> memref<1x159x64xi32, #tpu.memory_space<hbm>>
      %dma_start3A_11 = tpu.memref_squeeze %dma_start3A_10 : memref<1x159x64xi32, #tpu.memory_space<hbm>> -> memref<159x64xi32, #tpu.memory_space<hbm>>
      %dma_start3A_12 = arith.constant 0 : i32
      %dma_start3A_13 = arith.constant 0 : i32
      %dma_start3A_14 = tpu.memref_slice %arg2[%add3A, %dma_start3A_12, %dma_start3A_13] : memref<32x159x64xi32, #tpu.memory_space<hbm>> -> memref<1x159x64xi32, #tpu.memory_space<hbm>>
      %dma_start3A_15 = tpu.memref_squeeze %dma_start3A_14 : memref<1x159x64xi32, #tpu.memory_space<hbm>> -> memref<159x64xi32, #tpu.memory_space<hbm>>
      tpu.enqueue_dma source(%dma_start3A_15 : memref<159x64xi32, #tpu.memory_space<hbm>>) target(%arg6 : memref<159x64xi32, #tpu.memory_space<vmem>>) target_semaphore(%run_scoped3A : memref<!tpu.dma_semaphore, #tpu.memory_space<semaphore_mem>>)
      %dma_wait3A = arith.constant 0 : i32
      %dma_wait3A_16 = arith.constant 0 : i32
      %dma_wait3A_17 = tpu.memref_slice %arg2[%add3A, %dma_wait3A, %dma_wait3A_16] : memref<32x159x64xi32, #tpu.memory_space<hbm>> -> memref<1x159x64xi32, #tpu.memory_space<hbm>>
      %dma_wait3A_18 = tpu.memref_squeeze %dma_wait3A_17 : memref<1x159x64xi32, #tpu.memory_space<hbm>> -> memref<159x64xi32, #tpu.memory_space<hbm>>
      %dma_wait3A_19 = arith.constant 0 : i32
      %dma_wait3A_20 = arith.constant 0 : i32
      %dma_wait3A_21 = tpu.memref_slice %arg2[%add3A, %dma_wait3A_19, %dma_wait3A_20] : memref<32x159x64xi32, #tpu.memory_space<hbm>> -> memref<1x159x64xi32, #tpu.memory_space<hbm>>
      %dma_wait3A_22 = tpu.memref_squeeze %dma_wait3A_21 : memref<1x159x64xi32, #tpu.memory_space<hbm>> -> memref<159x64xi32, #tpu.memory_space<hbm>>
      tpu.wait_dma2 semaphore(%run_scoped3A : memref<!tpu.dma_semaphore, #tpu.memory_space<semaphore_mem>>) src(%dma_wait3A_22 : memref<159x64xi32, #tpu.memory_space<hbm>>) dst(%arg6 : memref<159x64xi32, #tpu.memory_space<vmem>>)
      tpu.yield
    }) : () -> ()
    "tpu.region"() ({
      %run_scoped3A = tpu.sem_alloc : memref<!tpu.dma_semaphore, #tpu.memory_space<semaphore_mem>>
      tpu.enqueue_dma source(%arg3 : memref<64x128xf32, #tpu.memory_space<hbm>>) target(%arg7 : memref<64x128xf32, #tpu.memory_space<vmem>>) target_semaphore(%run_scoped3A : memref<!tpu.dma_semaphore, #tpu.memory_space<semaphore_mem>>)
      tpu.wait_dma2 semaphore(%run_scoped3A : memref<!tpu.dma_semaphore, #tpu.memory_space<semaphore_mem>>) src(%arg3 : memref<64x128xf32, #tpu.memory_space<hbm>>) dst(%arg7 : memref<64x128xf32, #tpu.memory_space<vmem>>)
      tpu.yield
    }) : () -> ()
    "tpu.region"() ({
      %run_scoped3A = tpu.sem_alloc : memref<!tpu.dma_semaphore, #tpu.memory_space<semaphore_mem>>
      %dma_start3A = arith.constant 0 : i32
      %dma_start3A_9 = tpu.memref_slice %arg8[%mul3A_2, %dma_start3A] : memref<10240x128xf32, #tpu.memory_space<vmem_shared>> -> memref<640x128xf32, #tpu.memory_space<vmem_shared>>
      %dma_start3A_10 = arith.constant 0 : i32
      %dma_start3A_11 = tpu.memref_slice %arg4[%mul3A_2, %dma_start3A_10] : memref<10240x128xf32, #tpu.memory_space<hbm>> -> memref<640x128xf32, #tpu.memory_space<hbm>>
      tpu.enqueue_dma source(%dma_start3A_11 : memref<640x128xf32, #tpu.memory_space<hbm>>) target(%dma_start3A_9 : memref<640x128xf32, #tpu.memory_space<vmem_shared>>) target_semaphore(%run_scoped3A : memref<!tpu.dma_semaphore, #tpu.memory_space<semaphore_mem>>)
      %dma_wait3A = arith.constant 0 : i32
      %dma_wait3A_12 = tpu.memref_slice %arg8[%mul3A_2, %dma_wait3A] : memref<10240x128xf32, #tpu.memory_space<vmem_shared>> -> memref<640x128xf32, #tpu.memory_space<vmem_shared>>
      %dma_wait3A_13 = arith.constant 0 : i32
      %dma_wait3A_14 = tpu.memref_slice %arg4[%mul3A_2, %dma_wait3A_13] : memref<10240x128xf32, #tpu.memory_space<hbm>> -> memref<640x128xf32, #tpu.memory_space<hbm>>
      tpu.wait_dma2 semaphore(%run_scoped3A : memref<!tpu.dma_semaphore, #tpu.memory_space<semaphore_mem>>) src(%dma_wait3A_14 : memref<640x128xf32, #tpu.memory_space<hbm>>) dst(%dma_wait3A_12 : memref<640x128xf32, #tpu.memory_space<vmem_shared>>)
      tpu.yield
    }) : () -> ()
    %barrier3A = arith.constant 0 : index
    tpu.barrier barrier_id(%barrier3A)
    %scan3A = arith.constant 0 : i32
    %scan3A_3 = arith.constant 0 : i32
    %scan3A_4 = arith.constant 159 : i32
    %scan3A_5 = arith.addi %scan3A_3, %scan3A_4 : i32
    %scan3A_6 = arith.constant 1 : i32
    scf.for %scan3A_9 = %scan3A_3 to %scan3A_5 step %scan3A_6  : i32 {
      "tpu.region"() ({
        %run_scoped3A = tpu.sem_alloc : memref<!tpu.dma_semaphore, #tpu.memory_space<semaphore_mem>>
        %dma_start3A = arith.constant 0 : i32
        %dma_start3A_10 = tpu.memref_slice %arg6[%scan3A_9, %dma_start3A] : memref<159x64xi32, #tpu.memory_space<vmem>> -> memref<1x64xi32, #tpu.memory_space<vmem>>
        %dma_start3A_11 = tpu.memref_squeeze %dma_start3A_10 : memref<1x64xi32, #tpu.memory_space<vmem>> -> memref<64xi32, #tpu.memory_space<vmem>>
        %dma_start3A_12 = arith.constant 0 : i32
        %dma_start3A_13 = arith.constant 0 : i32
        %dma_start3A_14 = tpu.memref_slice %arg8[%dma_start3A_12, %dma_start3A_13] : memref<10240x128xf32, #tpu.memory_space<vmem_shared>> -> memref<10240x128xf32, #tpu.memory_space<vmem_shared>>
        tpu.enqueue_indirect_dma source(%arg7 : memref<64x128xf32, #tpu.memory_space<vmem>>) target(%dma_start3A_14 : memref<10240x128xf32, #tpu.memory_space<vmem_shared>>) offsets(%dma_start3A_11 : memref<64xi32, #tpu.memory_space<vmem>>) semaphore(%run_scoped3A : memref<!tpu.dma_semaphore, #tpu.memory_space<semaphore_mem>>) {add = true}
        %dma_wait3A = arith.constant 0 : i32
        %dma_wait3A_15 = tpu.memref_slice %arg6[%scan3A_9, %dma_wait3A] : memref<159x64xi32, #tpu.memory_space<vmem>> -> memref<1x64xi32, #tpu.memory_space<vmem>>
        %dma_wait3A_16 = tpu.memref_squeeze %dma_wait3A_15 : memref<1x64xi32, #tpu.memory_space<vmem>> -> memref<64xi32, #tpu.memory_space<vmem>>
        %dma_wait3A_17 = arith.constant 0 : i32
        %dma_wait3A_18 = arith.constant 0 : i32
        %dma_wait3A_19 = tpu.memref_slice %arg8[%dma_wait3A_17, %dma_wait3A_18] : memref<10240x128xf32, #tpu.memory_space<vmem_shared>> -> memref<10240x128xf32, #tpu.memory_space<vmem_shared>>
        tpu.wait_indirect_dma semaphore(%run_scoped3A : memref<!tpu.dma_semaphore, #tpu.memory_space<semaphore_mem>>) src(%arg7 : memref<64x128xf32, #tpu.memory_space<vmem>>) dst(%dma_wait3A_19 : memref<10240x128xf32, #tpu.memory_space<vmem_shared>>)
        tpu.yield
      }) : () -> ()
    }
    %scan3A_7 = arith.constant 159 : i32
    %barrier3A_8 = arith.constant 0 : index
    tpu.barrier barrier_id(%barrier3A_8)
    "tpu.region"() ({
      %run_scoped3A = tpu.sem_alloc : memref<!tpu.dma_semaphore, #tpu.memory_space<semaphore_mem>>
      %dma_start3A = arith.constant 0 : i32
      %dma_start3A_9 = tpu.memref_slice %arg5[%arg0, %mul3A_2, %dma_start3A] : memref<2x10240x128xf32, #tpu.memory_space<hbm>> -> memref<1x640x128xf32, #tpu.memory_space<hbm>>
      %dma_start3A_10 = tpu.memref_squeeze %dma_start3A_9 : memref<1x640x128xf32, #tpu.memory_space<hbm>> -> memref<640x128xf32, #tpu.memory_space<hbm>>
      %dma_start3A_11 = arith.constant 0 : i32
      %dma_start3A_12 = tpu.memref_slice %arg8[%mul3A_2, %dma_start3A_11] : memref<10240x128xf32, #tpu.memory_space<vmem_shared>> -> memref<640x128xf32, #tpu.memory_space<vmem_shared>>
      tpu.enqueue_dma source(%dma_start3A_12 : memref<640x128xf32, #tpu.memory_space<vmem_shared>>) target(%dma_start3A_10 : memref<640x128xf32, #tpu.memory_space<hbm>>) target_semaphore(%run_scoped3A : memref<!tpu.dma_semaphore, #tpu.memory_space<semaphore_mem>>)
      %dma_wait3A = arith.constant 0 : i32
      %dma_wait3A_13 = tpu.memref_slice %arg5[%arg0, %mul3A_2, %dma_wait3A] : memref<2x10240x128xf32, #tpu.memory_space<hbm>> -> memref<1x640x128xf32, #tpu.memory_space<hbm>>
      %dma_wait3A_14 = tpu.memref_squeeze %dma_wait3A_13 : memref<1x640x128xf32, #tpu.memory_space<hbm>> -> memref<640x128xf32, #tpu.memory_space<hbm>>
      %dma_wait3A_15 = arith.constant 0 : i32
      %dma_wait3A_16 = tpu.memref_slice %arg8[%mul3A_2, %dma_wait3A_15] : memref<10240x128xf32, #tpu.memory_space<vmem_shared>> -> memref<640x128xf32, #tpu.memory_space<vmem_shared>>
      tpu.wait_dma2 semaphore(%run_scoped3A : memref<!tpu.dma_semaphore, #tpu.memory_space<semaphore_mem>>) src(%dma_wait3A_16 : memref<640x128xf32, #tpu.memory_space<vmem_shared>>) dst(%dma_wait3A_14 : memref<640x128xf32, #tpu.memory_space<hbm>>)
      tpu.yield
    }) : () -> ()
    return
  }
}

module attributes {stable_mosaic.version = 14 : i64} {
  func.func @_scale_body(%arg0: i32, %arg1: memref<1024x128xf32, #tpu.memory_space<vmem>>, %arg2: memref<2x1024x128xf32, #tpu.memory_space<vmem>>, %arg3: memref<1024x128xf32, #tpu.memory_space<vmem>>, %arg4: memref<1024x8xf32, #tpu.memory_space<vmem>>, %arg5: memref<1024x8xf32, #tpu.memory_space<vmem>>) attributes {dimension_semantics = [#tpu.dimension_semantics<arbitrary>], iteration_bounds = array<i64: 10>, scalar_prefetch = 0 : i64, scratch_operands = 0 : i64, tpu.core_type = #tpu.core_type<tc>, window_params = [{transform_indices = @transform_0, window_bounds = array<i64: 1024, 128>}, {transform_indices = @transform_1, window_bounds = array<i64: 2, 1024, 128>}, {transform_indices = @transform_2, window_bounds = array<i64: 1024, 128>}, {transform_indices = @transform_3, window_bounds = array<i64: 1024, 8>}, {transform_indices = @transform_4, window_bounds = array<i64: 1024, 8>}]} {
    %get3A = arith.constant 0 : index
    %get3A_0 = arith.constant 0 : index
    %get3A_1 = arith.constant 0 : index
    %get3A_2 = vector.load %arg2[%get3A, %get3A_0, %get3A_1] : memref<2x1024x128xf32, #tpu.memory_space<vmem>>, vector<1x1024x1xf32>
    %get3A_3 = vector.shape_cast %get3A_2 : vector<1x1024x1xf32> to vector<1024x1xf32>
    %get3A_4 = arith.constant 1 : index
    %get3A_5 = arith.constant 0 : index
    %get3A_6 = arith.constant 0 : index
    %get3A_7 = vector.load %arg2[%get3A_4, %get3A_5, %get3A_6] : memref<2x1024x128xf32, #tpu.memory_space<vmem>>, vector<1x1024x1xf32>
    %get3A_8 = vector.shape_cast %get3A_7 : vector<1x1024x1xf32> to vector<1024x1xf32>
    %add3A = arith.addf %get3A_3, %get3A_8 : vector<1024x1xf32>
    %add3A_9 = arith.constant 1.000000e+00 : f32
    %add3A_10 = vector.broadcast %add3A_9 : f32 to vector<1024x1xf32>
    %add3A_11 = arith.addf %add3A, %add3A_10 : vector<1024x1xf32>
    %rsqrt3A = math.rsqrt %add3A_11 : vector<1024x1xf32>
    %div3A = arith.constant 1.000000e+00 : f32
    %div3A_12 = vector.broadcast %div3A : f32 to vector<1024x1xf32>
    %div3A_13 = arith.divf %div3A_12, %add3A_11 : vector<1024x1xf32>
    %get3A_14 = arith.constant 0 : index
    %get3A_15 = arith.constant 0 : index
    %get3A_16 = vector.load %arg1[%get3A_14, %get3A_15] : memref<1024x128xf32, #tpu.memory_space<vmem>>, vector<1024x128xf32>
    %mul3A = vector.broadcast %rsqrt3A : vector<1024x1xf32> to vector<1024x128xf32>
    %mul3A_17 = arith.mulf %get3A_16, %mul3A : vector<1024x128xf32>
    %swap3A = arith.constant 0 : index
    %swap3A_18 = arith.constant 0 : index
    %swap3A_19 = vector.load %arg3[%swap3A, %swap3A_18] : memref<1024x128xf32, #tpu.memory_space<vmem>>, vector<1024x128xf32>
    tpu.vector_store %arg3[%swap3A, %swap3A_18], %mul3A_17 {strides = array<i32>} : memref<1024x128xf32, #tpu.memory_space<vmem>>, vector<1024x128xf32>,
    %broadcast_in_dim3A = vector.shape_cast %rsqrt3A : vector<1024x1xf32> to vector<1024x1xf32>
    %broadcast_in_dim3A_20 = vector.broadcast %broadcast_in_dim3A : vector<1024x1xf32> to vector<1024x8xf32>
    %swap3A_21 = arith.constant 0 : index
    %swap3A_22 = arith.constant 0 : index
    %swap3A_23 = vector.load %arg4[%swap3A_21, %swap3A_22] : memref<1024x8xf32, #tpu.memory_space<vmem>>, vector<1024x8xf32>
    tpu.vector_store %arg4[%swap3A_21, %swap3A_22], %broadcast_in_dim3A_20 {strides = array<i32>} : memref<1024x8xf32, #tpu.memory_space<vmem>>, vector<1024x8xf32>,
    %broadcast_in_dim3A_24 = vector.shape_cast %div3A_13 : vector<1024x1xf32> to vector<1024x1xf32>
    %broadcast_in_dim3A_25 = vector.broadcast %broadcast_in_dim3A_24 : vector<1024x1xf32> to vector<1024x8xf32>
    %swap3A_26 = arith.constant 0 : index
    %swap3A_27 = arith.constant 0 : index
    %swap3A_28 = vector.load %arg5[%swap3A_26, %swap3A_27] : memref<1024x8xf32, #tpu.memory_space<vmem>>, vector<1024x8xf32>
    tpu.vector_store %arg5[%swap3A_26, %swap3A_27], %broadcast_in_dim3A_25 {strides = array<i32>} : memref<1024x8xf32, #tpu.memory_space<vmem>>, vector<1024x8xf32>,
    return
  }
  func.func @transform_0(%arg0: i32) -> (i32, i32) {
    %c0_i32 = arith.constant 0 : i32
    %c0_i32_0 = arith.constant 0 : i32
    return %arg0, %c0_i32 : i32, i32
  }
  func.func @transform_1(%arg0: i32) -> (i32, i32, i32) {
    %c0_i32 = arith.constant 0 : i32
    %c0_i32_0 = arith.constant 0 : i32
    %c0_i32_1 = arith.constant 0 : i32
    return %c0_i32, %arg0, %c0_i32_0 : i32, i32, i32
  }
  func.func @transform_2(%arg0: i32) -> (i32, i32) {
    %c0_i32 = arith.constant 0 : i32
    %c0_i32_0 = arith.constant 0 : i32
    return %arg0, %c0_i32 : i32, i32
  }
  func.func @transform_3(%arg0: i32) -> (i32, i32) {
    %c0_i32 = arith.constant 0 : i32
    %c0_i32_0 = arith.constant 0 : i32
    return %arg0, %c0_i32 : i32, i32
  }
  func.func @transform_4(%arg0: i32) -> (i32, i32) {
    %c0_i32 = arith.constant 0 : i32
    %c0_i32_0 = arith.constant 0 : i32
    return %arg0, %c0_i32 : i32, i32
  }
}

module attributes {stable_mosaic.version = 14 : i64} {
  func.func @_hidden_body(%arg0: i32, %arg1: memref<1024x128xf32, #tpu.memory_space<vmem>>, %arg2: memref<2x1024x128xf32, #tpu.memory_space<vmem>>, %arg3: memref<1024x8xf32, #tpu.memory_space<vmem>>, %arg4: memref<1024x8xf32, #tpu.memory_space<vmem>>, %arg5: memref<128x128xf32, #tpu.memory_space<vmem>>, %arg6: memref<1x128xf32, #tpu.memory_space<vmem>>, %arg7: memref<1024x128xf32, #tpu.memory_space<vmem>>, %arg8: memref<1024x128xf32, #tpu.memory_space<vmem>>) attributes {dimension_semantics = [#tpu.dimension_semantics<arbitrary>], iteration_bounds = array<i64: 10>, scalar_prefetch = 0 : i64, scratch_operands = 0 : i64, tpu.core_type = #tpu.core_type<tc>, window_params = [{transform_indices = @transform_0, window_bounds = array<i64: 1024, 128>}, {transform_indices = @transform_1, window_bounds = array<i64: 2, 1024, 128>}, {transform_indices = @transform_2, window_bounds = array<i64: 1024, 8>}, {transform_indices = @transform_3, window_bounds = array<i64: 1024, 8>}, {pipeline_mode = #tpu.pipeline_mode<synchronous>, transform_indices = @transform_4, window_bounds = array<i64: 128, 128>}, {pipeline_mode = #tpu.pipeline_mode<synchronous>, transform_indices = @transform_5, window_bounds = array<i64: 1, 128>}, {transform_indices = @transform_6, window_bounds = array<i64: 1024, 128>}, {transform_indices = @transform_7, window_bounds = array<i64: 1024, 128>}]} {
    %get3A = arith.constant 0 : index
    %get3A_0 = arith.constant 0 : index
    %get3A_1 = vector.load %arg3[%get3A, %get3A_0] : memref<1024x8xf32, #tpu.memory_space<vmem>>, vector<1024x1xf32>
    %get3A_2 = arith.constant 0 : index
    %get3A_3 = arith.constant 0 : index
    %get3A_4 = vector.load %arg4[%get3A_2, %get3A_3] : memref<1024x8xf32, #tpu.memory_space<vmem>>, vector<1024x1xf32>
    %get3A_5 = arith.constant 0 : index
    %get3A_6 = arith.constant 0 : index
    %get3A_7 = arith.constant 0 : index
    %get3A_8 = vector.load %arg2[%get3A_5, %get3A_6, %get3A_7] : memref<2x1024x128xf32, #tpu.memory_space<vmem>>, vector<1x1024x128xf32>
    %get3A_9 = vector.shape_cast %get3A_8 : vector<1x1024x128xf32> to vector<1024x128xf32>
    %get3A_10 = arith.constant 1 : index
    %get3A_11 = arith.constant 0 : index
    %get3A_12 = arith.constant 0 : index
    %get3A_13 = vector.load %arg2[%get3A_10, %get3A_11, %get3A_12] : memref<2x1024x128xf32, #tpu.memory_space<vmem>>, vector<1x1024x128xf32>
    %get3A_14 = vector.shape_cast %get3A_13 : vector<1x1024x128xf32> to vector<1024x128xf32>
    %add3A = arith.addf %get3A_9, %get3A_14 : vector<1024x128xf32>
    %mul3A = vector.broadcast %get3A_1 : vector<1024x1xf32> to vector<1024x128xf32>
    %mul3A_15 = arith.mulf %add3A, %mul3A : vector<1024x128xf32>
    %get3A_16 = arith.constant 0 : index
    %get3A_17 = arith.constant 0 : index
    %get3A_18 = vector.load %arg1[%get3A_16, %get3A_17] : memref<1024x128xf32, #tpu.memory_space<vmem>>, vector<1024x128xf32>
    %mul3A_19 = vector.broadcast %get3A_4 : vector<1024x1xf32> to vector<1024x128xf32>
    %mul3A_20 = arith.mulf %get3A_18, %mul3A_19 : vector<1024x128xf32>
    %add3A_21 = arith.addf %mul3A_15, %mul3A_20 : vector<1024x128xf32>
    %get3A_22 = arith.constant 0 : index
    %get3A_23 = arith.constant 0 : index
    %get3A_24 = vector.load %arg5[%get3A_22, %get3A_23] : memref<128x128xf32, #tpu.memory_space<vmem>>, vector<128x128xf32>
    %dot_general3A = arith.constant dense<0.000000e+00> : vector<1024x128xf32>
    %dot_general3A_25 = tpu.matmul %add3A_21, %get3A_24, %dot_general3A {dimension_numbers = #tpu.dot_dimension_numbers<[1], [0], [0], [1], [0, 0, 1, 1], [], []>, precision = #tpu.contract_precision<fp32>, transpose_lhs_hint = false} : vector<1024x128xf32>, vector<128x128xf32>, vector<1024x128xf32> -> vector<1024x128xf32>
    %get3A_26 = arith.constant 0 : index
    %get3A_27 = arith.constant 0 : index
    %get3A_28 = vector.load %arg6[%get3A_26, %get3A_27] : memref<1x128xf32, #tpu.memory_space<vmem>>, vector<1x128xf32>
    %add3A_29 = vector.broadcast %get3A_28 : vector<1x128xf32> to vector<1024x128xf32>
    %add3A_30 = arith.addf %dot_general3A_25, %add3A_29 : vector<1024x128xf32>
    %max3A = arith.constant 0.000000e+00 : f32
    %max3A_31 = vector.broadcast %max3A : f32 to vector<1024x128xf32>
    %max3A_32 = arith.maximumf %add3A_30, %max3A_31 : vector<1024x128xf32>
    %swap3A = arith.constant 0 : index
    %swap3A_33 = arith.constant 0 : index
    %swap3A_34 = vector.load %arg7[%swap3A, %swap3A_33] : memref<1024x128xf32, #tpu.memory_space<vmem>>, vector<1024x128xf32>
    tpu.vector_store %arg7[%swap3A, %swap3A_33], %max3A_32 {strides = array<i32>} : memref<1024x128xf32, #tpu.memory_space<vmem>>, vector<1024x128xf32>,
    %mul3A_35 = vector.broadcast %get3A_1 : vector<1024x1xf32> to vector<1024x128xf32>
    %mul3A_36 = arith.mulf %max3A_32, %mul3A_35 : vector<1024x128xf32>
    %swap3A_37 = arith.constant 0 : index
    %swap3A_38 = arith.constant 0 : index
    %swap3A_39 = vector.load %arg8[%swap3A_37, %swap3A_38] : memref<1024x128xf32, #tpu.memory_space<vmem>>, vector<1024x128xf32>
    tpu.vector_store %arg8[%swap3A_37, %swap3A_38], %mul3A_36 {strides = array<i32>} : memref<1024x128xf32, #tpu.memory_space<vmem>>, vector<1024x128xf32>,
    return
  }
  func.func @transform_0(%arg0: i32) -> (i32, i32) {
    %c0_i32 = arith.constant 0 : i32
    %c0_i32_0 = arith.constant 0 : i32
    return %arg0, %c0_i32 : i32, i32
  }
  func.func @transform_1(%arg0: i32) -> (i32, i32, i32) {
    %c0_i32 = arith.constant 0 : i32
    %c0_i32_0 = arith.constant 0 : i32
    %c0_i32_1 = arith.constant 0 : i32
    return %c0_i32, %arg0, %c0_i32_0 : i32, i32, i32
  }
  func.func @transform_2(%arg0: i32) -> (i32, i32) {
    %c0_i32 = arith.constant 0 : i32
    %c0_i32_0 = arith.constant 0 : i32
    return %arg0, %c0_i32 : i32, i32
  }
  func.func @transform_3(%arg0: i32) -> (i32, i32) {
    %c0_i32 = arith.constant 0 : i32
    %c0_i32_0 = arith.constant 0 : i32
    return %arg0, %c0_i32 : i32, i32
  }
  func.func @transform_4(%arg0: i32) -> (i32, i32) {
    %c0_i32 = arith.constant 0 : i32
    %c0_i32_0 = arith.constant 0 : i32
    %c0_i32_1 = arith.constant 0 : i32
    return %c0_i32, %c0_i32_0 : i32, i32
  }
  func.func @transform_5(%arg0: i32) -> (i32, i32) {
    %c0_i32 = arith.constant 0 : i32
    %c0_i32_0 = arith.constant 0 : i32
    %c0_i32_1 = arith.constant 0 : i32
    return %c0_i32, %c0_i32_0 : i32, i32
  }
  func.func @transform_6(%arg0: i32) -> (i32, i32) {
    %c0_i32 = arith.constant 0 : i32
    %c0_i32_0 = arith.constant 0 : i32
    return %arg0, %c0_i32 : i32, i32
  }
  func.func @transform_7(%arg0: i32) -> (i32, i32) {
    %c0_i32 = arith.constant 0 : i32
    %c0_i32_0 = arith.constant 0 : i32
    return %arg0, %c0_i32 : i32, i32
  }
}

module attributes {stable_mosaic.version = 14 : i64} {
  func.func @_head_body(%arg0: i32, %arg1: memref<1024x128xf32, #tpu.memory_space<vmem>>, %arg2: memref<2x1024x128xf32, #tpu.memory_space<vmem>>, %arg3: memref<1024x8xf32, #tpu.memory_space<vmem>>, %arg4: memref<1024x8xf32, #tpu.memory_space<vmem>>, %arg5: memref<128x128xf32, #tpu.memory_space<vmem>>, %arg6: memref<1x128xf32, #tpu.memory_space<vmem>>, %arg7: memref<1024x64xf32, #tpu.memory_space<vmem>>, %arg8: memref<1024x64xf32, #tpu.memory_space<vmem>>) attributes {dimension_semantics = [#tpu.dimension_semantics<arbitrary>], iteration_bounds = array<i64: 10>, scalar_prefetch = 0 : i64, scratch_operands = 0 : i64, tpu.core_type = #tpu.core_type<tc>, window_params = [{transform_indices = @transform_0, window_bounds = array<i64: 1024, 128>}, {transform_indices = @transform_1, window_bounds = array<i64: 2, 1024, 128>}, {transform_indices = @transform_2, window_bounds = array<i64: 1024, 8>}, {transform_indices = @transform_3, window_bounds = array<i64: 1024, 8>}, {pipeline_mode = #tpu.pipeline_mode<synchronous>, transform_indices = @transform_4, window_bounds = array<i64: 128, 128>}, {pipeline_mode = #tpu.pipeline_mode<synchronous>, transform_indices = @transform_5, window_bounds = array<i64: 1, 128>}, {transform_indices = @transform_6, window_bounds = array<i64: 1024, 64>}, {transform_indices = @transform_7, window_bounds = array<i64: 1024, 64>}]} {
    %get3A = arith.constant 0 : index
    %get3A_0 = arith.constant 0 : index
    %get3A_1 = vector.load %arg3[%get3A, %get3A_0] : memref<1024x8xf32, #tpu.memory_space<vmem>>, vector<1024x1xf32>
    %get3A_2 = arith.constant 0 : index
    %get3A_3 = arith.constant 0 : index
    %get3A_4 = vector.load %arg4[%get3A_2, %get3A_3] : memref<1024x8xf32, #tpu.memory_space<vmem>>, vector<1024x1xf32>
    %get3A_5 = arith.constant 0 : index
    %get3A_6 = arith.constant 0 : index
    %get3A_7 = arith.constant 0 : index
    %get3A_8 = vector.load %arg2[%get3A_5, %get3A_6, %get3A_7] : memref<2x1024x128xf32, #tpu.memory_space<vmem>>, vector<1x1024x128xf32>
    %get3A_9 = vector.shape_cast %get3A_8 : vector<1x1024x128xf32> to vector<1024x128xf32>
    %get3A_10 = arith.constant 1 : index
    %get3A_11 = arith.constant 0 : index
    %get3A_12 = arith.constant 0 : index
    %get3A_13 = vector.load %arg2[%get3A_10, %get3A_11, %get3A_12] : memref<2x1024x128xf32, #tpu.memory_space<vmem>>, vector<1x1024x128xf32>
    %get3A_14 = vector.shape_cast %get3A_13 : vector<1x1024x128xf32> to vector<1024x128xf32>
    %add3A = arith.addf %get3A_9, %get3A_14 : vector<1024x128xf32>
    %mul3A = vector.broadcast %get3A_1 : vector<1024x1xf32> to vector<1024x128xf32>
    %mul3A_15 = arith.mulf %add3A, %mul3A : vector<1024x128xf32>
    %get3A_16 = arith.constant 0 : index
    %get3A_17 = arith.constant 0 : index
    %get3A_18 = vector.load %arg1[%get3A_16, %get3A_17] : memref<1024x128xf32, #tpu.memory_space<vmem>>, vector<1024x128xf32>
    %mul3A_19 = vector.broadcast %get3A_4 : vector<1024x1xf32> to vector<1024x128xf32>
    %mul3A_20 = arith.mulf %get3A_18, %mul3A_19 : vector<1024x128xf32>
    %add3A_21 = arith.addf %mul3A_15, %mul3A_20 : vector<1024x128xf32>
    %get3A_22 = arith.constant 0 : index
    %get3A_23 = arith.constant 0 : index
    %get3A_24 = vector.load %arg5[%get3A_22, %get3A_23] : memref<128x128xf32, #tpu.memory_space<vmem>>, vector<128x128xf32>
    %dot_general3A = arith.constant dense<0.000000e+00> : vector<1024x128xf32>
    %dot_general3A_25 = tpu.matmul %add3A_21, %get3A_24, %dot_general3A {dimension_numbers = #tpu.dot_dimension_numbers<[1], [0], [0], [1], [0, 0, 1, 1], [], []>, precision = #tpu.contract_precision<fp32>, transpose_lhs_hint = false} : vector<1024x128xf32>, vector<128x128xf32>, vector<1024x128xf32> -> vector<1024x128xf32>
    %get3A_26 = arith.constant 0 : index
    %get3A_27 = arith.constant 0 : index
    %get3A_28 = vector.load %arg6[%get3A_26, %get3A_27] : memref<1x128xf32, #tpu.memory_space<vmem>>, vector<1x128xf32>
    %add3A_29 = vector.broadcast %get3A_28 : vector<1x128xf32> to vector<1024x128xf32>
    %add3A_30 = arith.addf %dot_general3A_25, %add3A_29 : vector<1024x128xf32>
    %slice3A = vector.extract_strided_slice %add3A_30 {offsets = [0, 0], sizes = [1024, 64], strides = [1, 1]} : vector<1024x128xf32> to vector<1024x64xf32>
    %swap3A = arith.constant 0 : index
    %swap3A_31 = arith.constant 0 : index
    %swap3A_32 = vector.load %arg7[%swap3A, %swap3A_31] : memref<1024x64xf32, #tpu.memory_space<vmem>>, vector<1024x64xf32>
    tpu.vector_store %arg7[%swap3A, %swap3A_31], %slice3A {strides = array<i32>} : memref<1024x64xf32, #tpu.memory_space<vmem>>, vector<1024x64xf32>,
    %slice3A_33 = vector.extract_strided_slice %add3A_30 {offsets = [0, 64], sizes = [1024, 64], strides = [1, 1]} : vector<1024x128xf32> to vector<1024x64xf32>
    %swap3A_34 = arith.constant 0 : index
    %swap3A_35 = arith.constant 0 : index
    %swap3A_36 = vector.load %arg8[%swap3A_34, %swap3A_35] : memref<1024x64xf32, #tpu.memory_space<vmem>>, vector<1024x64xf32>
    tpu.vector_store %arg8[%swap3A_34, %swap3A_35], %slice3A_33 {strides = array<i32>} : memref<1024x64xf32, #tpu.memory_space<vmem>>, vector<1024x64xf32>,
    return
  }
  func.func @transform_0(%arg0: i32) -> (i32, i32) {
    %c0_i32 = arith.constant 0 : i32
    %c0_i32_0 = arith.constant 0 : i32
    return %arg0, %c0_i32 : i32, i32
  }
  func.func @transform_1(%arg0: i32) -> (i32, i32, i32) {
    %c0_i32 = arith.constant 0 : i32
    %c0_i32_0 = arith.constant 0 : i32
    %c0_i32_1 = arith.constant 0 : i32
    return %c0_i32, %arg0, %c0_i32_0 : i32, i32, i32
  }
  func.func @transform_2(%arg0: i32) -> (i32, i32) {
    %c0_i32 = arith.constant 0 : i32
    %c0_i32_0 = arith.constant 0 : i32
    return %arg0, %c0_i32 : i32, i32
  }
  func.func @transform_3(%arg0: i32) -> (i32, i32) {
    %c0_i32 = arith.constant 0 : i32
    %c0_i32_0 = arith.constant 0 : i32
    return %arg0, %c0_i32 : i32, i32
  }
  func.func @transform_4(%arg0: i32) -> (i32, i32) {
    %c0_i32 = arith.constant 0 : i32
    %c0_i32_0 = arith.constant 0 : i32
    %c0_i32_1 = arith.constant 0 : i32
    return %c0_i32, %c0_i32_0 : i32, i32
  }
  func.func @transform_5(%arg0: i32) -> (i32, i32) {
    %c0_i32 = arith.constant 0 : i32
    %c0_i32_0 = arith.constant 0 : i32
    %c0_i32_1 = arith.constant 0 : i32
    return %c0_i32, %c0_i32_0 : i32, i32
  }
  func.func @transform_6(%arg0: i32) -> (i32, i32) {
    %c0_i32 = arith.constant 0 : i32
    %c0_i32_0 = arith.constant 0 : i32
    return %arg0, %c0_i32 : i32, i32
  }
  func.func @transform_7(%arg0: i32) -> (i32, i32) {
    %c0_i32 = arith.constant 0 : i32
    %c0_i32_0 = arith.constant 0 : i32
    return %arg0, %c0_i32 : i32, i32
  }
}

</mosaic_0001>

<sc_bundles>
// kernel: kernel.11.cloned.1.call-start
scs
__scs_entry_jumppad:
0x0: {  	(pc) =	sbr.rel $0x88, $3  }
0x1: {  	(tag) =	ssettag $0x0;
	lr =	simm.s32 $0x1  }
0x2: {  	[smem:$0x3F99] =	sst lr;
	_ =	strace $0xD0000000  }
0x3: {  	_ = 	snop  }
0x4: {  	_ = 	snop  }
0x5: {  	_ = 	snop  }
0x6: {  	_ = 	snop  }
0x7: {  	_ = 	snop  }
__scs_overlays_trampoline_lowered:
0x8: {  	[smem:$0x3FA8] =	sst s0  }
0x9: {  	[smem:$0x3FA9] =	sst s1  }
0xa: {  	[smem:$0x3FAA] =	sst s2  }
0xb: {  	[smem:$0x3FAB] =	sst s3  }
0xc: {  	[smem:$0x3FAC] =	sst s4  }
0xd: {  	[smem:$0x3FAD] =	sst s5  }
0xe: {  	[smem:$0x3FAE] =	sst s6  }
0xf: {  	[smem:$0x3FAF] =	sst s7  }
0x10: {  	[smem:$0x3FB0] =	sst s8  }
0x11: {  	[smem:$0x3FB1] =	sst s9;
	s0 =	simm.s32 @!p0 $0x0  }
0x12: {  	s1 =	sld [smem:$0x3F97];
	s0 =	simm.s32 @p0 $0x1  }
0x13: {  	[smem:$0x3FB2] =	sst s0;
	s0 =	simm.s32 @!p1 $0x0  }
0x14: {  	s2 =	sld [smem:$0x3F96];
	s0 =	simm.s32 @p1 $0x1  }
0x15: {  	[smem:$0x3FB3] =	sst s0;
	s0 =	simm.s32 @!p2 $0x0  }
0x16: {  	s3 =	sld [smem:$0x3FDB];
	s0 =	simm.s32 @p2 $0x1  }
0x17: {  	s4 =	simm.s32 $0x1BF5;
	[smem:$0x3FB5] =	sst s0  }
0x18: {  	s0 =	sld [smem:$0x3F98];
	_ =	swait.ge [sflag:s4], $0x0  }
0x19: {  	s7 =	sld [smem:$0x3F99]  }
0x1a: {  	s8 =	sadd.s32 $0xFFFFE003, lr  }
0x1b: {  	s9 =	sadd.s32 $0xFFFFFEF7, lr;
	s5 =	simm.s32 $0xFFFFFFFF;
	p2 =	slt.u32 s8, $0xFFFFF086  }
0x1c: {  	p1 =	slt.u32 s9, $0xF7A;
	s5 =	simm.s32 @!p2 $0x0  }
0x1d: {  	s5 =	simm.s32 @p1 $0x1;
	p0 =	seq.s32 s7, s2  }
0x1e: {  	s7 =	smul.u32 @!p0 $0xF7A, s2;
	p2 =	seq.s32 @!p0 s5, $0x0  }
0x1f: {  	s9 =	smul.u32 $0xF7A, s1;
	s8 =	simm.s32 @!p0 $0x1BF5;
	p2 =	por !p2, p0  }
0x20: {  	[sflag:s8] =	ssyncset.s32 @!p0 $0xFFFFF086;
	s6 =	sadd.s32 @!p0 s3, s7;
	s7 =	simm.s32 @!p0 $0x108  }
0x21: {  	s3 =	sadd.s32 s3, s9;
	s6 =	sadd.s32 @!p0 $0x88, s6;
	s7 =	simm.s32 @p2 $0x1082  }
0x22: {  	[simem:s7], [sflag:s8] =	dma.local @!p0 [hbm:s6], $0xF7A  }
0x23: {  	s9 =	sor.u32 $0xD0000000, s2;
	s6 =	simm.s32 $0x108;
	_ =	swait.ge @!p0 [sflag:s8], $0x0  }
0x24: {  	s3 =	sadd.s32 $0x88, s3;
	s6 =	simm.s32 @!p1 $0x1082;
	[sflag:s4] =	ssyncset.s32 $0xFFFFF086  }
0x25: {  	[simem:s6], [sflag:s4] =	dma.local [hbm:s3], $0xF7A  }
0x26: {  	[smem:$0x3F99] =	sst s1;
	(tag) =	ssettag s2;
	_ =	strace s9  }
0x27: {  	s1 =	sld [smem:$0x3FA9]  }
0x28: {  	s2 =	sld [smem:$0x3FAA]  }
0x29: {  	s4 =	sld [smem:$0x3FAC]  }
0x2a: {  	p0 =	seq.s32 s5, $0x0;
	s5 =	sld [smem:$0x3FAD]  }
0x2b: {  	s6 =	sld [smem:$0x3FAE]  }
0x2c: {  	s7 =	sld [smem:$0x3FAF]  }
0x2d: {  	s3 =	simm.s32 $0x108;
	s8 =	sld [smem:$0x3FB0]  }
0x2e: {  	s3 =	simm.s32 @!p0 $0x1082;
	s9 =	sld [smem:$0x3FB1]  }
0x2f: {  	lr =	sadd.s32 s0, s3;
	s0 =	sld [smem:$0x3FA8]  }
0x30: {  	s3 =	sld [smem:$0x3FAB]  }
0x31: {  	[smem:$0x3FB4] =	sst s10  }
0x32: {  	s10 =	sld [smem:$0x3FB2];
	_ =	sdelay $0x3  }
0x33: {  	p0 =	seq.s32 s10, $0x1;
	s10 =	sld [smem:$0x3FB4];
	_ =	sdelay $0x3  }
0x34: {  	[smem:$0x3FB4] =	sst s10  }
0x35: {  	s10 =	sld [smem:$0x3FB3];
	_ =	sdelay $0x3  }
0x36: {  	p1 =	seq.s32 s10, $0x1;
	s10 =	sld [smem:$0x3FB4];
	_ =	sdelay $0x3  }
0x37: {  	[smem:$0x3FB4] =	sst s10  }
0x38: {  	s10 =	sld [smem:$0x3FB5]  }
0x39: {  	_ = 	snop;
	(pc) =	sbr.ind lr, $3  }
0x3a: {  	_ = 	snop  }
0x3b: {  	_ = 	snop  }
0x3c: {  	p2 =	seq.s32 s10, $0x1;
	s10 =	sld [smem:$0x3FB4]  }
0x3d: {  	_ =	shalt  }
0x3e: {  	_ =	shalt  }
0x3f: {  	_ =	shalt  }
0x40: {  	_ =	shalt  }
0x41: {  	_ =	shalt  }
0x42: {  	_ =	shalt  }
0x43: {  	_ =	shalt  }
0x44: {  	_ =	shalt  }
0x45: {  	_ =	shalt  }
0x46: {  	_ =	shalt  }
0x47: {  	_ =	shalt  }
0x48: {  	_ =	shalt  }
0x49: {  	_ =	shalt  }
0x4a: {  	_ =	shalt  }
0x4b: {  	_ =	shalt  }
0x4c: {  	_ =	shalt  }
0x4d: {  	_ =	shalt  }
0x4e: {  	_ =	shalt  }
0x4f: {  	_ =	shalt  }
0x50: {  	_ =	shalt  }
0x51: {  	_ =	shalt  }
0x52: {  	_ =	shalt  }
0x53: {  	_ =	shalt  }
0x54: {  	_ =	shalt  }
0x55: {  	_ =	shalt  }
0x56: {  	_ =	shalt  }
0x57: {  	_ =	shalt  }
0x58: {  	_ =	shalt  }
0x59: {  	_ =	shalt  }
0x5a: {  	_ =	shalt  }
0x5b: {  	_ =	shalt  }
0x5c: {  	_ =	shalt  }
0x5d: {  	_ =	shalt  }
0x5e: {  	_ =	shalt  }
0x5f: {  	_ =	shalt  }
0x60: {  	_ =	shalt  }
0x61: {  	_ =	shalt  }
0x62: {  	_ =	shalt  }
0x63: {  	_ =	shalt  }
0x64: {  	_ =	shalt  }
0x65: {  	_ =	shalt  }
0x66: {  	_ =	shalt  }
0x67: {  	_ =	shalt  }
0x68: {  	_ =	shalt  }
0x69: {  	_ =	shalt  }
0x6a: {  	_ =	shalt  }
0x6b: {  	_ =	shalt  }
0x6c: {  	_ =	shalt  }
0x6d: {  	_ =	shalt  }
0x6e: {  	_ =	shalt  }
0x6f: {  	_ =	shalt  }
0x70: {  	_ =	shalt  }
0x71: {  	_ =	shalt  }
0x72: {  	_ =	shalt  }
0x73: {  	_ =	shalt  }
0x74: {  	_ =	shalt  }
0x75: {  	_ =	shalt  }
0x76: {  	_ =	shalt  }
0x77: {  	_ =	shalt  }
0x78: {  	_ =	shalt  }
0x79: {  	_ =	shalt  }
0x7a: {  	_ =	shalt  }
0x7b: {  	_ =	shalt  }
0x7c: {  	_ =	shalt  }
0x7d: {  	_ =	shalt  }
0x7e: {  	_ =	shalt  }
0x7f: {  	_ =	shalt  }
0x80: {  	_ =	shalt  }
0x81: {  	_ =	shalt  }
0x82: {  	_ =	shalt  }
0x83: {  	_ =	shalt  }
0x84: {  	_ =	shalt  }
0x85: {  	_ =	shalt  }
0x86: {  	_ =	shalt  }
0x87: {  	_ =	shalt  }
.Lfunc_end0:
.L_simem_size_0:
called_computation.1_lowered:
.L_overlay_start_0:
0x88: {  	s2 =	sld [smem:$0x3FD9]  }
0x89: {  	s3 =	sld [smem:$0x3FFE];
	_ =	sdelay $0x1  }
0x8a: {  	s1 =	srdreg.scid  }
0x8b: {  	s0 =	sand.u32 $0x1, s1  }
0x8c: {  	s16 =	sshll.u32 s0, $0xA;
	s2 =	sadd.s32 s3, s2  }
0x8d: {  	s2 =	sadd.s32 s2, s16  }
0x8e: {  	[smem:$0x3FC0] =	sst s2  }
0x8f: {  	_ = 	snop  }
0x90: {  	(tm) =	ssettm $0x1  }
0x91: {  	s17 =	sld [smem:$0x3FFB];
	_ =	sdelay $0x3  }
0x92: {  	_ =	strace s17  }
0x93: {  	s2 =	sld [smem:$0x3FFC];
	_ =	sdelay $0x3  }
0x94: {  	_ =	strace s2  }
0x95: {  	s2 =	sld [smem:$0x3FFD];
	_ =	sdelay $0x3  }
0x96: {  	_ =	strace s2  }
0x97: {  	_ =	strace $0x8FFFFFFF  }
0x98: {  	s18 =	sld [smem:$0x3FDB];
	_ =	sdelay $0x1  }
0x99: {  	s19 =	simm.s32 $_scs_section_size  }
0x9a: {  	s4 =	simm.s32 $_size__tile_overlayer_lowered;
	s5 =	simm.s32 $_tile_overlayer_lowered  }
0x9b: {  	s22 =	simm.s32 $0x1BFF;
	s21 =	sshll.u32 s5, $0x1;
	s2 =	sadd.s32 s19, s18  }
0x9c: {  	s6 =	simm.s32 $0x0;
	s20 =	sshll.u32 s4, $0x1;
	s4 =	sadd.s32 s21, s2  }
0x9d: {  	[timem:s6], [sflag:s22] =	dma.local [hbm:s4], s20  }
0x9e: {  	_ =	swait.ge [sflag:s22], s20  }
0x9f: {  	s3 =	ssub.s32 $0x0, s20;
	[sflag:s22] =	ssyncset.done $0x0  }
0xa0: {  	[sflag:s22] =	ssyncadd.s32 s3;
	_ =	sdelay $0x1  }
0xa1: {  	s23 =	simm.s32 $0x1B8B  }
0xa2: {  	_ =	swait.ge [sflag:s23], $0x1  }
0xa3: {  	[sflag:s23] =	ssyncset.done $0x0  }
0xa4: {  	s25 =	simm.s32 $0x1B8E;
	s24 =	sld [smem:$0x3FFE];
	[sflag:s23] =	ssyncadd.s32 $0xFFFFFFFF  }
0xa5: {  	s26 =	simm.s32 $execute0_lowered;
	[smem:$0x3FD2] =	sst s25  }
0xa6: {  	s4 =	sshll.u32 s26, $0x1;
	_ =	strace $0x80000049;
	[dreg:$0x1] =	wrdreg $0xFFFFFFFF  }
0xa7: {  	s28 =	simm.s32 $_size_execute0_lowered;
	s2 =	sadd.s32 s2, s4;
	[dreg:$0x0] =	wrdreg $0x0  }
0xa8: {  	s4 =	sshll.u32 s28, $0x1;
	[dreg:$0x2] =	wrdreg s2  }
0xa9: {  	[dreg:$0x3] =	wrdreg s4  }
0xaa: {  	[dreg:$0x4] =	wrdreg $0xC0  }
0xab: {  	_ =	task [dreg:s6], $0x5FFFF  }
0xac: {  	[dreg:$0x1] =	wrdreg $0xFFFFFFFF  }
0xad: {  	[dreg:$0x0] =	wrdreg $0x60  }
0xae: {  	[dreg:$0x2] =	wrdreg s24  }
0xaf: {  	[dreg:$0x3] =	wrdreg $0xB1800  }
0xb0: {  	[dreg:$0x4] =	wrdreg $0x9  }
0xb1: {  	_ =	task.clear_ibuf [dreg:s6], $0x5FFFF;
	_ =	strace $0x90000049  }
0xb2: {  	s29 =	simm.s32 $0x9;
	_ =	strace $0x8000004B  }
0xb3: {  	_ =	swait.ge [sflag:s29], $0x1  }
0xb4: {  	[sflag:s29] =	ssyncadd.s32 $0xFFFFFFFF  }
0xb5: {  	_ =	strace $0x9000004B  }
0xb6: {  	_ =	sfence  }
0xb7: {  	s30 =	sld [smem:$0x0];
	_ =	sdelay $0x2  }
0xb8: {  	s31 =	sshll.u32 s1, $0xD;
	s1 =	sshrl.u32 s1, $0x2  }
0xb9: {  	s3 =	sand.u32 $0x4000, s31;
	s1 =	sadd.s32 s1, s30  }
0xba: {  	s0 =	sor.u32 s3, s0;
	s1 =	sshll.u32 s1, $0x11  }
0xbb: {  	s0 =	sor.u32 s1, s0  }
0xbc: {  	s0 =	sadd.s32 $0x8F2B, s0  }
0xbd: {  	[sflag:s0] =	ssyncadd.remote.s32 $0x1  }
0xbe: {  	_ =	sfence.sel $0xFFFF  }
0xbf: {  	[dreg:$0x0] =	wrdreg $0xFFFFFFFF;
	(pc) =	sbr.abs _section_cstart, $3  }
0xc0: {  	[dreg:$0x1] =	wrdreg $0xFFFFFFFF  }
0xc1: {  	_ =	task.clear_ibuf [dreg:s6], $0x2FFFF;
	_ =	strace $0x9FFFFFFF  }
0xc2: {  	(tm) =	ssettm $0x7FFFFFFF  }
0xc3: {  	_ =	shalt  }
tec
execute0_lowered:
.L_overlay_start_1:
0x0: {  	(tag) =	ssettag $0x1  }
0x1: {  	s0 =	srdreg.scid;
	s1 =	rddreg [dreg:$0x0]  }
0x2: {  	s12 =	stileid.u32;
	s2 =	rddreg [dreg:$0x1];
	s14 =	simm.s32 $0xA  }
0x3: {  	s17 =	simm.s32 $0x80;
	s18 =	simm.s32 $0x100;
	s28 =	simm.s32 $0x3  }
0x4: {  	s29 =	simm.s32 $0x9180;
	s30 =	simm.s32 $0x6;
	s31 =	simm.s32 $0x7  }
0x5: {  	s0 =	sand.u32 $0x1, s0;
	s3 =	sshll.u32 s12, $0x1;
	s7 =	smul.u32 $0x14000, s12  }
0x6: {  	s5 =	sadd.s32 $0x3E400, s1;
	s6 =	sadd.s32 $0x8E400, s1;
	s19 =	smul.u32 $0x50000, s12  }
0x7: {  	s26 =	sshll.u32 s12, $0x6;
	s4 =	sor.u32 s0, s3;
	s3 =	simm.s32 $0x0  }
0x8: {  	s8 =	smul.u32 $0x140000, s0;
	s0 =	ssub.s32 $0x2, s0;
	s15 =	sor.u32 $0x1C0A, s26  }
0x9: {  	s26 =	simm.s32 $0x5;
	s4 =	smul.u32 $0x5000, s4;
	[smem:$0x7FF] =	sst s3  }
0xa: {  	s11 =	sshrl.u32 s7, $0x3;
	s20 =	sshrl.u32 s0, $0x1;
	s22 =	sshrl.u32 s19, $0x2  }
0xb: {  	s19 =	simm.s32 $0x1;
	_ =	strace $0x8000004A;
	s7 =	sadd.s32 s7, s8  }
0xc: {  	s11 =	sadd.s32 s11, s1;
	s0 =	ssub.s32 s0, s20;
	s20 =	simm.s32 $0x40  }
0xd: {  	s9 =	sshrl.u32 s4, $0x3;
	s7 =	sshrl.u32 s7, $0x3;
	s23 =	sadd.s32 $0x16400, s11  }
0xe: {  	s0 =	smax.u32 s0, $0x1;
	s10 =	sadd.s32 s9, s1;
	s1 =	sadd.s32 s7, s1  }
0xf: {  	s7 =	sadd.s32 s22, s2;
	[dreg:$0x4] =	wrdreg s23;
	s9 =	sadd.s32 s6, s9  }
0x10: {  	[dreg:$0x8] =	wrdreg s0;
	s22 =	simm.s32 $0x4;
	s21 =	sadd.s32 $0x2400, s10  }
.Ltmp0:
0x11: {  	s24 =	sadd.s32 $0x10, s9;
	[dreg:$0x3] =	wrdreg s21;
	(pc) =	sbr.rel .LBB2_1-.Ltmp0, $4  }
0x12: {  	s23 =	simm.s32 $0x8;
	s25 =	sadd.s32 $0x20, s9;
	[dreg:$0x5] =	wrdreg s24  }
0x13: {  	s0 =	simm.s32 $0x0;
	s1 =	sadd.s32 $0xA2400, s1;
	[dreg:$0x6] =	wrdreg s25  }
0x14: {  	s16 =	sshrl.u32 s7, $0x3;
	[dreg:$0x7] =	wrdreg s1;
	s21 =	simm.s32 $0x5180  }
0x15: {  	s24 =	simm.s32 $0x2;
	s25 =	simm.s32 $0x7180;
	s1 =	simm.s32 $0x9  }
.LBB2_8:
0x16: {  	[spmem:s2] =	stream.indirect.scatter.add.f32 [tilespmem:s29], [sflag:$0x9], $0x80, s7, s20, $0xb8;
	[tilespmem:$0x1F180] =	vst v63  }
0x17: {  	_ =	swait.ge [sflag:s31], $0x2000  }
0x18: {  	[sflag:s31] =	ssyncset.done $0x0  }
0x19: {  	[sflag:s31] =	ssyncadd.s32 $0xFFFFE000  }
0x1a: {  	_ =	swait.ge [sflag:s23], $0x2000  }
0x1b: {  	[sflag:s23] =	ssyncset.done $0x0  }
0x1c: {  	[sflag:s23] =	ssyncadd.s32 $0xFFFFE000  }
0x1d: {  	_ =	swait.ge [sflag:s1], $0x2000  }
0x1e: {  	[sflag:s1] =	ssyncset.done $0x0  }
0x1f: {  	[sflag:s1] =	ssyncadd.s32 $0xFFFFE000  }
0x20: {  	[bflag:$0x0] =	sbarrier.arrive $0xFFFF  }
0x21: {  	s12 =	rddreg [dreg:$0x7]  }
0x22: {  	[hbm:s12], [sflag:s15] =	dma.local [spmem:s16], $0x2800  }
0x23: {  	_ =	swait.ge [sflag:s14], $0x2800  }
0x24: {  	s0 =	sadd.s32 $0x1, s0;
	s13 =	rddreg [dreg:$0x8]  }
0x25: {  	p0 =	sne.s32 s0, s13  }
.Ltmp1:
0x26: {  	_ = 	snop;
	(pc) =	sbr.rel @!p0 .LBB2_9-.Ltmp1, $3  }
0x27: {  	_ =	sdelay $0x1  }
0x28: {  	[sflag:s14] =	ssyncset.done $0x0  }
0x29: {  	[sflag:s14] =	ssyncadd.s32 $0xFFFFD800  }
.LBB2_1:
0x2a: {  	s10 =	simm.s32 $0x180;
	s7 =	rddreg [dreg:$0x3]  }
0x2b: {  	[tilespmem:s10], [sflag:$0xA] =	stream.linear.gather [hbm4b:s7+s3], $0x4F80, $0x38;
	[tilespmem:$0x1F180] =	vst v63  }
0x2c: {  	_ =	swait.ge [sflag:s14], $0x4F80  }
0x2d: {  	[sflag:s14] =	ssyncset.done $0x0  }
0x2e: {  	s11 =	rddreg [dreg:$0x4];
	[sflag:s14] =	ssyncadd.s32 $0xFFFFB080  }
0x2f: {  	[spmem:s16], [sflag:s15] =	dma.local [hbm:s11], $0x2800  }
0x30: {  	_ =	swait.ge [sflag:s14], $0x2800  }
0x31: {  	[sflag:s14] =	ssyncset.done $0x0  }
0x32: {  	[sflag:s14] =	ssyncadd.s32 $0xFFFFD800  }
0x33: {  	[bflag:$0x0] =	sbarrier.arrive $0xFFFF  }
0x34: {  	[tilespmem:s3], [sflag:$0x1] =	stream.linear.gather [hbm4b:s9+s3], $0x80, $0x38;
	[tilespmem:$0x1F180] =	vst v63  }
0x35: {  	s12 =	rddreg [dreg:$0x5]  }
0x36: {  	[tilespmem:s17], [sflag:$0x2] =	stream.linear.gather [hbm4b:s12+s3], $0x80, $0x38;
	[tilespmem:$0x1F180] =	vst v63  }
0x37: {  	s13 =	rddreg [dreg:$0x6]  }
0x38: {  	[tilespmem:s18], [sflag:$0x3] =	stream.linear.gather [hbm4b:s13+s3], $0x80, $0x38;
	[tilespmem:$0x1F180] =	vst v63  }
0x39: {  	_ =	swait.ge [sflag:s19], $0x80  }
0x3a: {  	[sflag:s19] =	ssyncset.done $0x0  }
0x3b: {  	s8 =	simm.s32 $0x280;
	[sflag:s19] =	ssyncadd.s32 $0xFFFFFF80  }
0x3c: {  	[tilespmem:s21], [sflag:$0x4] =	stream.indirect.gather [hbm4b:s5+s20], $0x80, s3, s20, $0xb8;
	[tilespmem:$0x1F180] =	vst v63  }
.LBB2_2:
0x3d: {  	p0 =	sne.s32 s8, $0x5080  }
.Ltmp2:
0x3e: {  	_ = 	snop;
	(pc) =	sbr.rel @p0 .LBB2_4-.Ltmp2, $4  }
0x3f: {  	_ = 	snop  }
0x40: {  	_ =	swait.ge [sflag:s22], $0x2000  }
0x41: {  	[sflag:s22] =	ssyncset.done $0x0  }
0x42: {  	[sflag:s22] =	ssyncadd.s32 $0xFFFFE000  }
.Ltmp3:
0x43: {  	(pc) =	sbr.rel .LBB2_5-.Ltmp3, $3  }
0x44: {  	_ =	sdelay $0x1  }
0x45: {  	s7 =	simm.s32 $0x4F80  }
0x46: {  	[spmem:s2] =	stream.indirect.scatter.add.f32 [tilespmem:s21], [sflag:$0x7], $0x80, s7, s20, $0xb8;
	[tilespmem:$0x1F180] =	vst v63  }
.LBB2_4:
0x47: {  	s7 =	sadd.s32 $0xFFFFFF00, s8  }
0x48: {  	s11 =	sand.u32 $0xFC00, s7  }
0x49: {  	s7 =	sand.u32 $0x380, s7;
	s11 =	sadd.s32 s4, s11  }
0x4a: {  	p0 =	seq.s32 s8, $0x280;
	s7 =	sor.u32 s7, s11  }
.Ltmp4:
0x4b: {  	s7 =	sshrl.u32 s7, $0x3;
	(pc) =	sbr.rel @p0 .LBB2_6-.Ltmp4, $4  }
0x4c: {  	s7 =	sadd.s32 s6, s7  }
0x4d: {  	[tilespmem:s3], [sflag:$0x1] =	stream.linear.gather [hbm4b:s7+s3], $0x80, $0x38;
	[tilespmem:$0x1F180] =	vst v63  }
0x4e: {  	p1 =	por $0x1, $0x1;
	s7 =	smov.u32 s10  }
0x4f: {  	[spmem:s2] =	stream.indirect.scatter.add.f32 [tilespmem:s21], [sflag:$0x7], $0x80, s10, s20, $0xb8;
	[tilespmem:$0x1F180] =	vst v63  }
.LBB2_5:
0x50: {  	_ =	swait.ge [sflag:s23], $0x2000  }
0x51: {  	[sflag:s23] =	ssyncset.done $0x0  }
0x52: {  	p1 =	por $0x0, $0x0;
	[sflag:s23] =	ssyncadd.s32 $0xFFFFE000  }
.LBB2_6:
0x53: {  	_ =	swait.ge [sflag:s24], $0x80;
	p0 =	seq.s32 s8, $0x5080  }
0x54: {  	[sflag:s24] =	ssyncset.done $0x0;
	s11 =	sadd.s32 @!p0 $0xFFFFFF80, s8  }
0x55: {  	[sflag:s24] =	ssyncadd.s32 $0xFFFFFF80;
	s12 =	sand.u32 @!p0 $0xFC00, s11  }
0x56: {  	[tilespmem:s25], [sflag:$0x5] =	stream.indirect.gather [hbm4b:s5+s20], $0x80, s17, s20, $0xb8;
	[tilespmem:$0x1F180] =	vst v63  }
0x57: {  	s11 =	sand.u32 @!p0 $0x380, s11;
	s12 =	sadd.s32 @!p0 s4, s12  }
0x58: {  	_ =	swait.ge [sflag:s26], $0x2000;
	s11 =	sor.u32 @!p0 s11, s12  }
0x59: {  	s13 =	simm.s32 @!p0 $0x80;
	[sflag:s26] =	ssyncset.done $0x0;
	s11 =	sshrl.u32 @!p0 s11, $0x3  }
0x5a: {  	s12 =	simm.s32 @!p0 $0x0;
	[sflag:s26] =	ssyncadd.s32 $0xFFFFE000;
	s11 =	sadd.s32 @!p0 s6, s11  }
0x5b: {  	[tilespmem:s13], [sflag:$0x2] =	stream.linear.gather @!p0 [hbm4b:s11+s12], $0x80, $0x38;
	[tilespmem:$0x1F180] =	vst v63  }
0x5c: {  	s13 =	sadd.s32 $0x80, s7;
	s11 =	simm.s32 @!p1 $0x9  }
0x5d: {  	[spmem:s2] =	stream.indirect.scatter.add.f32 [tilespmem:s25], [sflag:$0x8], $0x80, s13, s20, $0xb8;
	[tilespmem:$0x1F180] =	vst v63  }
0x5e: {  	_ =	swait.ge @!p1 [sflag:s11], $0x2000  }
0x5f: {  	[sflag:s11] =	ssyncset.done @!p1 $0x0  }
0x60: {  	[sflag:s11] =	ssyncadd.s32 @!p1 $0xFFFFE000  }
0x61: {  	_ =	swait.ge [sflag:s28], $0x80  }
0x62: {  	[sflag:s28] =	ssyncset.done $0x0  }
.Ltmp5:
0x63: {  	[sflag:s28] =	ssyncadd.s32 $0xFFFFFF80;
	(pc) =	sbr.rel @p0 .LBB2_8-.Ltmp5, $4  }
0x64: {  	[tilespmem:s29], [sflag:$0x6] =	stream.indirect.gather [hbm4b:s5+s20], $0x80, s18, s20, $0xb8;
	[tilespmem:$0x1F180] =	vst v63  }
0x65: {  	_ =	swait.ge [sflag:s30], $0x2000  }
0x66: {  	[sflag:s30] =	ssyncset.done $0x0  }
0x67: {  	s7 =	sadd.s32 $0x100, s7;
	[sflag:s30] =	ssyncadd.s32 $0xFFFFE000  }
0x68: {  	s11 =	sand.u32 $0xFC00, s8  }
0x69: {  	s12 =	sand.u32 $0x380, s8;
	s11 =	sadd.s32 s4, s11  }
0x6a: {  	s11 =	sor.u32 s12, s11  }
0x6b: {  	s11 =	sshrl.u32 s11, $0x3  }
0x6c: {  	s11 =	sadd.s32 s6, s11  }
0x6d: {  	[tilespmem:s18], [sflag:$0x3] =	stream.linear.gather [hbm4b:s11+s3], $0x80, $0x38;
	[tilespmem:$0x1F180] =	vst v63  }
0x6e: {  	_ = 	snop  }
0x6f: {  	[spmem:s2] =	stream.indirect.scatter.add.f32 [tilespmem:s29], [sflag:$0x9], $0x80, s7, s20, $0xb8;
	[tilespmem:$0x1F180] =	vst v63  }
0x70: {  	_ =	swait.ge [sflag:s31], $0x2000  }
0x71: {  	[sflag:s31] =	ssyncset.done $0x0  }
.Ltmp6:
0x72: {  	[sflag:s31] =	ssyncadd.s32 $0xFFFFE000;
	(pc) =	sbr.rel .LBB2_2-.Ltmp6, $4  }
0x73: {  	_ =	swait.ge [sflag:s19], $0x80  }
0x74: {  	[sflag:s19] =	ssyncset.done $0x0  }
0x75: {  	s8 =	sadd.s32 $0x180, s8;
	s10 =	sadd.s32 $0x180, s10;
	[sflag:s19] =	ssyncadd.s32 $0xFFFFFF80  }
0x76: {  	[tilespmem:s21], [sflag:$0x4] =	stream.indirect.gather [hbm4b:s5+s20], $0x80, s3, s20, $0xb8;
	[tilespmem:$0x1F180] =	vst v63  }
.LBB2_9:
0x77: {  	_ =	sfence.sel $0x180000  }
0x78: {  	[bflag:$0x0] =	sbarrier.arrive $0xFFFF  }
0x79: {  	_ =	strace $0x9000004A  }
0x7a: {  	s0 =	stileid.u32;
	[bflag:$0x2] =	sbarrier.arrive $0xFFFF  }
0x7b: {  	p0 =	sne.s32 s0, $0x0;
	s0 =	rddreg [dreg:$0x2]  }
0x7c: {  	s0 =	sadd.s32 @!p0 $0x100000, s0  }
0x7d: {  	[sflag:s0] =	ssyncadd.tile.s32 @!p0 $0x1;
	_ =	shalt  }
.Lfunc_end2:
_tile_overlayer_lowered:
.L_overlay_start_2:
0x7e: {  	(tag) =	ssettag $0x2  }
0x7f: {  	s0 =	rddreg [dreg:$0x0];
	s2 =	stileid.u32  }
0x80: {  	s1 =	rddreg [dreg:$0x1];
	p0 =	sne.s32 s2, $0x0  }
0x81: {  	s3 =	rddreg [dreg:$0x2];
	[bflag:$0x3] =	sbarrier.arrive $0xFFFF;
	s2 =	simm.s32 @!p0 $0x1C0A  }
0x82: {  	[timem:s3], [sflag:s2] =	dma.local @!p0 [hbm:s0], s1  }
0x83: {  	s0 =	simm.s32 @!p0 $0xA  }
0x84: {  	_ =	swait.ge @!p0 [sflag:s0], s1  }
0x85: {  	s1 =	ssub.s32 @!p0 $0x0, s1;
	[sflag:s0] =	ssyncset.done @!p0 $0x0  }
0x86: {  	[sflag:s0] =	ssyncadd.s32 @!p0 s1  }
0x87: {  	[bflag:$0x3] =	sbarrier.arrive $0xFFFF  }
0x88: {  	_ =	shalt  }

// kernel: kernel.14.cloned.1.call-start
scs
__scs_entry_jumppad:
0x0: {  	(pc) =	sbr.rel $0x88, $3  }
0x1: {  	(tag) =	ssettag $0x0;
	lr =	simm.s32 $0x1  }
0x2: {  	[smem:$0x3F99] =	sst lr;
	_ =	strace $0xD0000000  }
0x3: {  	_ = 	snop  }
0x4: {  	_ = 	snop  }
0x5: {  	_ = 	snop  }
0x6: {  	_ = 	snop  }
0x7: {  	_ = 	snop  }
__scs_overlays_trampoline_lowered:
0x8: {  	[smem:$0x3FA8] =	sst s0  }
0x9: {  	[smem:$0x3FA9] =	sst s1  }
0xa: {  	[smem:$0x3FAA] =	sst s2  }
0xb: {  	[smem:$0x3FAB] =	sst s3  }
0xc: {  	[smem:$0x3FAC] =	sst s4  }
0xd: {  	[smem:$0x3FAD] =	sst s5  }
0xe: {  	[smem:$0x3FAE] =	sst s6  }
0xf: {  	[smem:$0x3FAF] =	sst s7  }
0x10: {  	[smem:$0x3FB0] =	sst s8  }
0x11: {  	[smem:$0x3FB1] =	sst s9;
	s0 =	simm.s32 @!p0 $0x0  }
0x12: {  	s1 =	sld [smem:$0x3F97];
	s0 =	simm.s32 @p0 $0x1  }
0x13: {  	[smem:$0x3FB2] =	sst s0;
	s0 =	simm.s32 @!p1 $0x0  }
0x14: {  	s2 =	sld [smem:$0x3F96];
	s0 =	simm.s32 @p1 $0x1  }
0x15: {  	[smem:$0x3FB3] =	sst s0;
	s0 =	simm.s32 @!p2 $0x0  }
0x16: {  	s3 =	sld [smem:$0x3FDB];
	s0 =	simm.s32 @p2 $0x1  }
0x17: {  	s4 =	simm.s32 $0x1BF5;
	[smem:$0x3FB5] =	sst s0  }
0x18: {  	s0 =	sld [smem:$0x3F98];
	_ =	swait.ge [sflag:s4], $0x0  }
0x19: {  	s7 =	sld [smem:$0x3F99]  }
0x1a: {  	s8 =	sadd.s32 $0xFFFFE003, lr  }
0x1b: {  	s9 =	sadd.s32 $0xFFFFFEF7, lr;
	s5 =	simm.s32 $0xFFFFFFFF;
	p2 =	slt.u32 s8, $0xFFFFF086  }
0x1c: {  	p1 =	slt.u32 s9, $0xF7A;
	s5 =	simm.s32 @!p2 $0x0  }
0x1d: {  	s5 =	simm.s32 @p1 $0x1;
	p0 =	seq.s32 s7, s2  }
0x1e: {  	s7 =	smul.u32 @!p0 $0xF7A, s2;
	p2 =	seq.s32 @!p0 s5, $0x0  }
0x1f: {  	s9 =	smul.u32 $0xF7A, s1;
	s8 =	simm.s32 @!p0 $0x1BF5;
	p2 =	por !p2, p0  }
0x20: {  	[sflag:s8] =	ssyncset.s32 @!p0 $0xFFFFF086;
	s6 =	sadd.s32 @!p0 s3, s7;
	s7 =	simm.s32 @!p0 $0x108  }
0x21: {  	s3 =	sadd.s32 s3, s9;
	s6 =	sadd.s32 @!p0 $0x88, s6;
	s7 =	simm.s32 @p2 $0x1082  }
0x22: {  	[simem:s7], [sflag:s8] =	dma.local @!p0 [hbm:s6], $0xF7A  }
0x23: {  	s9 =	sor.u32 $0xD0000000, s2;
	s6 =	simm.s32 $0x108;
	_ =	swait.ge @!p0 [sflag:s8], $0x0  }
0x24: {  	s3 =	sadd.s32 $0x88, s3;
	s6 =	simm.s32 @!p1 $0x1082;
	[sflag:s4] =	ssyncset.s32 $0xFFFFF086  }
0x25: {  	[simem:s6], [sflag:s4] =	dma.local [hbm:s3], $0xF7A  }
0x26: {  	[smem:$0x3F99] =	sst s1;
	(tag) =	ssettag s2;
	_ =	strace s9  }
0x27: {  	s1 =	sld [smem:$0x3FA9]  }
0x28: {  	s2 =	sld [smem:$0x3FAA]  }
0x29: {  	s4 =	sld [smem:$0x3FAC]  }
0x2a: {  	p0 =	seq.s32 s5, $0x0;
	s5 =	sld [smem:$0x3FAD]  }
0x2b: {  	s6 =	sld [smem:$0x3FAE]  }
0x2c: {  	s7 =	sld [smem:$0x3FAF]  }
0x2d: {  	s3 =	simm.s32 $0x108;
	s8 =	sld [smem:$0x3FB0]  }
0x2e: {  	s3 =	simm.s32 @!p0 $0x1082;
	s9 =	sld [smem:$0x3FB1]  }
0x2f: {  	lr =	sadd.s32 s0, s3;
	s0 =	sld [smem:$0x3FA8]  }
0x30: {  	s3 =	sld [smem:$0x3FAB]  }
0x31: {  	[smem:$0x3FB4] =	sst s10  }
0x32: {  	s10 =	sld [smem:$0x3FB2];
	_ =	sdelay $0x3  }
0x33: {  	p0 =	seq.s32 s10, $0x1;
	s10 =	sld [smem:$0x3FB4];
	_ =	sdelay $0x3  }
0x34: {  	[smem:$0x3FB4] =	sst s10  }
0x35: {  	s10 =	sld [smem:$0x3FB3];
	_ =	sdelay $0x3  }
0x36: {  	p1 =	seq.s32 s10, $0x1;
	s10 =	sld [smem:$0x3FB4];
	_ =	sdelay $0x3  }
0x37: {  	[smem:$0x3FB4] =	sst s10  }
0x38: {  	s10 =	sld [smem:$0x3FB5]  }
0x39: {  	_ = 	snop;
	(pc) =	sbr.ind lr, $3  }
0x3a: {  	_ = 	snop  }
0x3b: {  	_ = 	snop  }
0x3c: {  	p2 =	seq.s32 s10, $0x1;
	s10 =	sld [smem:$0x3FB4]  }
0x3d: {  	_ =	shalt  }
0x3e: {  	_ =	shalt  }
0x3f: {  	_ =	shalt  }
0x40: {  	_ =	shalt  }
0x41: {  	_ =	shalt  }
0x42: {  	_ =	shalt  }
0x43: {  	_ =	shalt  }
0x44: {  	_ =	shalt  }
0x45: {  	_ =	shalt  }
0x46: {  	_ =	shalt  }
0x47: {  	_ =	shalt  }
0x48: {  	_ =	shalt  }
0x49: {  	_ =	shalt  }
0x4a: {  	_ =	shalt  }
0x4b: {  	_ =	shalt  }
0x4c: {  	_ =	shalt  }
0x4d: {  	_ =	shalt  }
0x4e: {  	_ =	shalt  }
0x4f: {  	_ =	shalt  }
0x50: {  	_ =	shalt  }
0x51: {  	_ =	shalt  }
0x52: {  	_ =	shalt  }
0x53: {  	_ =	shalt  }
0x54: {  	_ =	shalt  }
0x55: {  	_ =	shalt  }
0x56: {  	_ =	shalt  }
0x57: {  	_ =	shalt  }
0x58: {  	_ =	shalt  }
0x59: {  	_ =	shalt  }
0x5a: {  	_ =	shalt  }
0x5b: {  	_ =	shalt  }
0x5c: {  	_ =	shalt  }
0x5d: {  	_ =	shalt  }
0x5e: {  	_ =	shalt  }
0x5f: {  	_ =	shalt  }
0x60: {  	_ =	shalt  }
0x61: {  	_ =	shalt  }
0x62: {  	_ =	shalt  }
0x63: {  	_ =	shalt  }
0x64: {  	_ =	shalt  }
0x65: {  	_ =	shalt  }
0x66: {  	_ =	shalt  }
0x67: {  	_ =	shalt  }
0x68: {  	_ =	shalt  }
0x69: {  	_ =	shalt  }
0x6a: {  	_ =	shalt  }
0x6b: {  	_ =	shalt  }
0x6c: {  	_ =	shalt  }
0x6d: {  	_ =	shalt  }
0x6e: {  	_ =	shalt  }
0x6f: {  	_ =	shalt  }
0x70: {  	_ =	shalt  }
0x71: {  	_ =	shalt  }
0x72: {  	_ =	shalt  }
0x73: {  	_ =	shalt  }
0x74: {  	_ =	shalt  }
0x75: {  	_ =	shalt  }
0x76: {  	_ =	shalt  }
0x77: {  	_ =	shalt  }
0x78: {  	_ =	shalt  }
0x79: {  	_ =	shalt  }
0x7a: {  	_ =	shalt  }
0x7b: {  	_ =	shalt  }
0x7c: {  	_ =	shalt  }
0x7d: {  	_ =	shalt  }
0x7e: {  	_ =	shalt  }
0x7f: {  	_ =	shalt  }
0x80: {  	_ =	shalt  }
0x81: {  	_ =	shalt  }
0x82: {  	_ =	shalt  }
0x83: {  	_ =	shalt  }
0x84: {  	_ =	shalt  }
0x85: {  	_ =	shalt  }
0x86: {  	_ =	shalt  }
0x87: {  	_ =	shalt  }
.Lfunc_end0:
.L_simem_size_0:
called_computation.2_lowered:
.L_overlay_start_0:
0x88: {  	s2 =	sld [smem:$0x3FD9]  }
0x89: {  	s3 =	sld [smem:$0x3FFE];
	_ =	sdelay $0x1  }
0x8a: {  	s1 =	srdreg.scid  }
0x8b: {  	s0 =	sand.u32 $0x1, s1  }
0x8c: {  	s16 =	sshll.u32 s0, $0xA;
	s2 =	sadd.s32 s3, s2  }
0x8d: {  	s2 =	sadd.s32 s2, s16  }
0x8e: {  	[smem:$0x3FC0] =	sst s2  }
0x8f: {  	_ = 	snop  }
0x90: {  	(tm) =	ssettm $0x1  }
0x91: {  	s17 =	sld [smem:$0x3FFB];
	_ =	sdelay $0x3  }
0x92: {  	_ =	strace s17  }
0x93: {  	s2 =	sld [smem:$0x3FFC];
	_ =	sdelay $0x3  }
0x94: {  	_ =	strace s2  }
0x95: {  	s2 =	sld [smem:$0x3FFD];
	_ =	sdelay $0x3  }
0x96: {  	_ =	strace s2  }
0x97: {  	_ =	strace $0x8FFFFFFF  }
0x98: {  	s18 =	sld [smem:$0x3FDB];
	_ =	sdelay $0x1  }
0x99: {  	s19 =	simm.s32 $_scs_section_size  }
0x9a: {  	s4 =	simm.s32 $_size__tile_overlayer_lowered;
	s5 =	simm.s32 $_tile_overlayer_lowered  }
0x9b: {  	s22 =	simm.s32 $0x1BFF;
	s21 =	sshll.u32 s5, $0x1;
	s2 =	sadd.s32 s19, s18  }
0x9c: {  	s6 =	simm.s32 $0x0;
	s20 =	sshll.u32 s4, $0x1;
	s4 =	sadd.s32 s21, s2  }
0x9d: {  	[timem:s6], [sflag:s22] =	dma.local [hbm:s4], s20  }
0x9e: {  	_ =	swait.ge [sflag:s22], s20  }
0x9f: {  	s3 =	ssub.s32 $0x0, s20;
	[sflag:s22] =	ssyncset.done $0x0  }
0xa0: {  	[sflag:s22] =	ssyncadd.s32 s3;
	_ =	sdelay $0x1  }
0xa1: {  	s23 =	simm.s32 $0x1B8B  }
0xa2: {  	_ =	swait.ge [sflag:s23], $0x1  }
0xa3: {  	[sflag:s23] =	ssyncset.done $0x0  }
0xa4: {  	s25 =	simm.s32 $0x1B8E;
	s24 =	sld [smem:$0x3FFE];
	[sflag:s23] =	ssyncadd.s32 $0xFFFFFFFF  }
0xa5: {  	s26 =	simm.s32 $execute0_lowered;
	[smem:$0x3FD2] =	sst s25  }
0xa6: {  	s4 =	sshll.u32 s26, $0x1;
	_ =	strace $0x8000004C;
	[dreg:$0x1] =	wrdreg $0xFFFFFFFF  }
0xa7: {  	s28 =	simm.s32 $_size_execute0_lowered;
	s2 =	sadd.s32 s2, s4;
	[dreg:$0x0] =	wrdreg $0x0  }
0xa8: {  	s4 =	sshll.u32 s28, $0x1;
	[dreg:$0x2] =	wrdreg s2  }
0xa9: {  	[dreg:$0x3] =	wrdreg s4  }
0xaa: {  	[dreg:$0x4] =	wrdreg $0xC0  }
0xab: {  	_ =	task [dreg:s6], $0x5FFFF  }
0xac: {  	[dreg:$0x1] =	wrdreg $0xFFFFFFFF  }
0xad: {  	[dreg:$0x0] =	wrdreg $0x60  }
0xae: {  	[dreg:$0x2] =	wrdreg s24  }
0xaf: {  	[dreg:$0x3] =	wrdreg $0xB1800  }
0xb0: {  	[dreg:$0x4] =	wrdreg $0x9  }
0xb1: {  	_ =	task.clear_ibuf [dreg:s6], $0x5FFFF;
	_ =	strace $0x9000004C  }
0xb2: {  	s29 =	simm.s32 $0x9;
	_ =	strace $0x8000004E  }
0xb3: {  	_ =	swait.ge [sflag:s29], $0x1  }
0xb4: {  	[sflag:s29] =	ssyncadd.s32 $0xFFFFFFFF  }
0xb5: {  	_ =	strace $0x9000004E  }
0xb6: {  	_ =	sfence  }
0xb7: {  	s30 =	sld [smem:$0x0];
	_ =	sdelay $0x2  }
0xb8: {  	s31 =	sshll.u32 s1, $0xD;
	s1 =	sshrl.u32 s1, $0x2  }
0xb9: {  	s3 =	sand.u32 $0x4000, s31;
	s1 =	sadd.s32 s1, s30  }
0xba: {  	s0 =	sor.u32 s3, s0;
	s1 =	sshll.u32 s1, $0x11  }
0xbb: {  	s0 =	sor.u32 s1, s0  }
0xbc: {  	s0 =	sadd.s32 $0x8F2B, s0  }
0xbd: {  	[sflag:s0] =	ssyncadd.remote.s32 $0x1  }
0xbe: {  	_ =	sfence.sel $0xFFFF  }
0xbf: {  	[dreg:$0x0] =	wrdreg $0xFFFFFFFF;
	(pc) =	sbr.abs _section_cstart, $3  }
0xc0: {  	[dreg:$0x1] =	wrdreg $0xFFFFFFFF  }
0xc1: {  	_ =	task.clear_ibuf [dreg:s6], $0x2FFFF;
	_ =	strace $0x9FFFFFFF  }
0xc2: {  	(tm) =	ssettm $0x7FFFFFFF  }
0xc3: {  	_ =	shalt  }
tec
execute0_lowered:
.L_overlay_start_1:
0x0: {  	(tag) =	ssettag $0x1  }
0x1: {  	s0 =	srdreg.scid;
	s1 =	rddreg [dreg:$0x0]  }
0x2: {  	s12 =	stileid.u32;
	s2 =	rddreg [dreg:$0x1];
	s14 =	simm.s32 $0xA  }
0x3: {  	s17 =	simm.s32 $0x80;
	s18 =	simm.s32 $0x100;
	s28 =	simm.s32 $0x3  }
0x4: {  	s29 =	simm.s32 $0x9180;
	s30 =	simm.s32 $0x6;
	s31 =	simm.s32 $0x7  }
0x5: {  	s0 =	sand.u32 $0x1, s0;
	s3 =	sshll.u32 s12, $0x1;
	s7 =	smul.u32 $0x14000, s12  }
0x6: {  	s5 =	sadd.s32 $0x3E400, s1;
	s6 =	sadd.s32 $0x8E400, s1;
	s19 =	smul.u32 $0x50000, s12  }
0x7: {  	s26 =	sshll.u32 s12, $0x6;
	s4 =	sor.u32 s0, s3;
	s3 =	simm.s32 $0x0  }
0x8: {  	s8 =	smul.u32 $0x140000, s0;
	s0 =	ssub.s32 $0x2, s0;
	s15 =	sor.u32 $0x1C0A, s26  }
0x9: {  	s26 =	simm.s32 $0x5;
	s4 =	smul.u32 $0x5000, s4;
	[smem:$0x7FF] =	sst s3  }
0xa: {  	s11 =	sshrl.u32 s7, $0x3;
	s20 =	sshrl.u32 s0, $0x1;
	s22 =	sshrl.u32 s19, $0x2  }
0xb: {  	s19 =	simm.s32 $0x1;
	_ =	strace $0x8000004D;
	s7 =	sadd.s32 s7, s8  }
0xc: {  	s11 =	sadd.s32 s11, s1;
	s0 =	ssub.s32 s0, s20;
	s20 =	simm.s32 $0x40  }
0xd: {  	s9 =	sshrl.u32 s4, $0x3;
	s7 =	sshrl.u32 s7, $0x3;
	s23 =	sadd.s32 $0x16400, s11  }
0xe: {  	s0 =	smax.u32 s0, $0x1;
	s10 =	sadd.s32 s9, s1;
	s1 =	sadd.s32 s7, s1  }
0xf: {  	s7 =	sadd.s32 s22, s2;
	[dreg:$0x4] =	wrdreg s23;
	s9 =	sadd.s32 s6, s9  }
0x10: {  	[dreg:$0x8] =	wrdreg s0;
	s22 =	simm.s32 $0x4;
	s21 =	sadd.s32 $0x2400, s10  }
.Ltmp0:
0x11: {  	s24 =	sadd.s32 $0x10, s9;
	[dreg:$0x3] =	wrdreg s21;
	(pc) =	sbr.rel .LBB2_1-.Ltmp0, $4  }
0x12: {  	s23 =	simm.s32 $0x8;
	s25 =	sadd.s32 $0x20, s9;
	[dreg:$0x5] =	wrdreg s24  }
0x13: {  	s0 =	simm.s32 $0x0;
	s1 =	sadd.s32 $0xA2400, s1;
	[dreg:$0x6] =	wrdreg s25  }
0x14: {  	s16 =	sshrl.u32 s7, $0x3;
	[dreg:$0x7] =	wrdreg s1;
	s21 =	simm.s32 $0x5180  }
0x15: {  	s24 =	simm.s32 $0x2;
	s25 =	simm.s32 $0x7180;
	s1 =	simm.s32 $0x9  }
.LBB2_8:
0x16: {  	[spmem:s2] =	stream.indirect.scatter.add.f32 [tilespmem:s29], [sflag:$0x9], $0x80, s7, s20, $0xb8;
	[tilespmem:$0x1F180] =	vst v63  }
0x17: {  	_ =	swait.ge [sflag:s31], $0x2000  }
0x18: {  	[sflag:s31] =	ssyncset.done $0x0  }
0x19: {  	[sflag:s31] =	ssyncadd.s32 $0xFFFFE000  }
0x1a: {  	_ =	swait.ge [sflag:s23], $0x2000  }
0x1b: {  	[sflag:s23] =	ssyncset.done $0x0  }
0x1c: {  	[sflag:s23] =	ssyncadd.s32 $0xFFFFE000  }
0x1d: {  	_ =	swait.ge [sflag:s1], $0x2000  }
0x1e: {  	[sflag:s1] =	ssyncset.done $0x0  }
0x1f: {  	[sflag:s1] =	ssyncadd.s32 $0xFFFFE000  }
0x20: {  	[bflag:$0x0] =	sbarrier.arrive $0xFFFF  }
0x21: {  	s12 =	rddreg [dreg:$0x7]  }
0x22: {  	[hbm:s12], [sflag:s15] =	dma.local [spmem:s16], $0x2800  }
0x23: {  	_ =	swait.ge [sflag:s14], $0x2800  }
0x24: {  	s0 =	sadd.s32 $0x1, s0;
	s13 =	rddreg [dreg:$0x8]  }
0x25: {  	p0 =	sne.s32 s0, s13  }
.Ltmp1:
0x26: {  	_ = 	snop;
	(pc) =	sbr.rel @!p0 .LBB2_9-.Ltmp1, $3  }
0x27: {  	_ =	sdelay $0x1  }
0x28: {  	[sflag:s14] =	ssyncset.done $0x0  }
0x29: {  	[sflag:s14] =	ssyncadd.s32 $0xFFFFD800  }
.LBB2_1:
0x2a: {  	s10 =	simm.s32 $0x180;
	s7 =	rddreg [dreg:$0x3]  }
0x2b: {  	[tilespmem:s10], [sflag:$0xA] =	stream.linear.gather [hbm4b:s7+s3], $0x4F80, $0x38;
	[tilespmem:$0x1F180] =	vst v63  }
0x2c: {  	_ =	swait.ge [sflag:s14], $0x4F80  }
0x2d: {  	[sflag:s14] =	ssyncset.done $0x0  }
0x2e: {  	s11 =	rddreg [dreg:$0x4];
	[sflag:s14] =	ssyncadd.s32 $0xFFFFB080  }
0x2f: {  	[spmem:s16], [sflag:s15] =	dma.local [hbm:s11], $0x2800  }
0x30: {  	_ =	swait.ge [sflag:s14], $0x2800  }
0x31: {  	[sflag:s14] =	ssyncset.done $0x0  }
0x32: {  	[sflag:s14] =	ssyncadd.s32 $0xFFFFD800  }
0x33: {  	[bflag:$0x0] =	sbarrier.arrive $0xFFFF  }
0x34: {  	[tilespmem:s3], [sflag:$0x1] =	stream.linear.gather [hbm4b:s9+s3], $0x80, $0x38;
	[tilespmem:$0x1F180] =	vst v63  }
0x35: {  	s12 =	rddreg [dreg:$0x5]  }
0x36: {  	[tilespmem:s17], [sflag:$0x2] =	stream.linear.gather [hbm4b:s12+s3], $0x80, $0x38;
	[tilespmem:$0x1F180] =	vst v63  }
0x37: {  	s13 =	rddreg [dreg:$0x6]  }
0x38: {  	[tilespmem:s18], [sflag:$0x3] =	stream.linear.gather [hbm4b:s13+s3], $0x80, $0x38;
	[tilespmem:$0x1F180] =	vst v63  }
0x39: {  	_ =	swait.ge [sflag:s19], $0x80  }
0x3a: {  	[sflag:s19] =	ssyncset.done $0x0  }
0x3b: {  	s8 =	simm.s32 $0x280;
	[sflag:s19] =	ssyncadd.s32 $0xFFFFFF80  }
0x3c: {  	[tilespmem:s21], [sflag:$0x4] =	stream.indirect.gather [hbm4b:s5+s20], $0x80, s3, s20, $0xb8;
	[tilespmem:$0x1F180] =	vst v63  }
.LBB2_2:
0x3d: {  	p0 =	sne.s32 s8, $0x5080  }
.Ltmp2:
0x3e: {  	_ = 	snop;
	(pc) =	sbr.rel @p0 .LBB2_4-.Ltmp2, $4  }
0x3f: {  	_ = 	snop  }
0x40: {  	_ =	swait.ge [sflag:s22], $0x2000  }
0x41: {  	[sflag:s22] =	ssyncset.done $0x0  }
0x42: {  	[sflag:s22] =	ssyncadd.s32 $0xFFFFE000  }
.Ltmp3:
0x43: {  	(pc) =	sbr.rel .LBB2_5-.Ltmp3, $3  }
0x44: {  	_ =	sdelay $0x1  }
0x45: {  	s7 =	simm.s32 $0x4F80  }
0x46: {  	[spmem:s2] =	stream.indirect.scatter.add.f32 [tilespmem:s21], [sflag:$0x7], $0x80, s7, s20, $0xb8;
	[tilespmem:$0x1F180] =	vst v63  }
.LBB2_4:
0x47: {  	s7 =	sadd.s32 $0xFFFFFF00, s8  }
0x48: {  	s11 =	sand.u32 $0xFC00, s7  }
0x49: {  	s7 =	sand.u32 $0x380, s7;
	s11 =	sadd.s32 s4, s11  }
0x4a: {  	p0 =	seq.s32 s8, $0x280;
	s7 =	sor.u32 s7, s11  }
.Ltmp4:
0x4b: {  	s7 =	sshrl.u32 s7, $0x3;
	(pc) =	sbr.rel @p0 .LBB2_6-.Ltmp4, $4  }
0x4c: {  	s7 =	sadd.s32 s6, s7  }
0x4d: {  	[tilespmem:s3], [sflag:$0x1] =	stream.linear.gather [hbm4b:s7+s3], $0x80, $0x38;
	[tilespmem:$0x1F180] =	vst v63  }
0x4e: {  	p1 =	por $0x1, $0x1;
	s7 =	smov.u32 s10  }
0x4f: {  	[spmem:s2] =	stream.indirect.scatter.add.f32 [tilespmem:s21], [sflag:$0x7], $0x80, s10, s20, $0xb8;
	[tilespmem:$0x1F180] =	vst v63  }
.LBB2_5:
0x50: {  	_ =	swait.ge [sflag:s23], $0x2000  }
0x51: {  	[sflag:s23] =	ssyncset.done $0x0  }
0x52: {  	p1 =	por $0x0, $0x0;
	[sflag:s23] =	ssyncadd.s32 $0xFFFFE000  }
.LBB2_6:
0x53: {  	_ =	swait.ge [sflag:s24], $0x80;
	p0 =	seq.s32 s8, $0x5080  }
0x54: {  	[sflag:s24] =	ssyncset.done $0x0;
	s11 =	sadd.s32 @!p0 $0xFFFFFF80, s8  }
0x55: {  	[sflag:s24] =	ssyncadd.s32 $0xFFFFFF80;
	s12 =	sand.u32 @!p0 $0xFC00, s11  }
0x56: {  	[tilespmem:s25], [sflag:$0x5] =	stream.indirect.gather [hbm4b:s5+s20], $0x80, s17, s20, $0xb8;
	[tilespmem:$0x1F180] =	vst v63  }
0x57: {  	s11 =	sand.u32 @!p0 $0x380, s11;
	s12 =	sadd.s32 @!p0 s4, s12  }
0x58: {  	_ =	swait.ge [sflag:s26], $0x2000;
	s11 =	sor.u32 @!p0 s11, s12  }
0x59: {  	s13 =	simm.s32 @!p0 $0x80;
	[sflag:s26] =	ssyncset.done $0x0;
	s11 =	sshrl.u32 @!p0 s11, $0x3  }
0x5a: {  	s12 =	simm.s32 @!p0 $0x0;
	[sflag:s26] =	ssyncadd.s32 $0xFFFFE000;
	s11 =	sadd.s32 @!p0 s6, s11  }
0x5b: {  	[tilespmem:s13], [sflag:$0x2] =	stream.linear.gather @!p0 [hbm4b:s11+s12], $0x80, $0x38;
	[tilespmem:$0x1F180] =	vst v63  }
0x5c: {  	s13 =	sadd.s32 $0x80, s7;
	s11 =	simm.s32 @!p1 $0x9  }
0x5d: {  	[spmem:s2] =	stream.indirect.scatter.add.f32 [tilespmem:s25], [sflag:$0x8], $0x80, s13, s20, $0xb8;
	[tilespmem:$0x1F180] =	vst v63  }
0x5e: {  	_ =	swait.ge @!p1 [sflag:s11], $0x2000  }
0x5f: {  	[sflag:s11] =	ssyncset.done @!p1 $0x0  }
0x60: {  	[sflag:s11] =	ssyncadd.s32 @!p1 $0xFFFFE000  }
0x61: {  	_ =	swait.ge [sflag:s28], $0x80  }
0x62: {  	[sflag:s28] =	ssyncset.done $0x0  }
.Ltmp5:
0x63: {  	[sflag:s28] =	ssyncadd.s32 $0xFFFFFF80;
	(pc) =	sbr.rel @p0 .LBB2_8-.Ltmp5, $4  }
0x64: {  	[tilespmem:s29], [sflag:$0x6] =	stream.indirect.gather [hbm4b:s5+s20], $0x80, s18, s20, $0xb8;
	[tilespmem:$0x1F180] =	vst v63  }
0x65: {  	_ =	swait.ge [sflag:s30], $0x2000  }
0x66: {  	[sflag:s30] =	ssyncset.done $0x0  }
0x67: {  	s7 =	sadd.s32 $0x100, s7;
	[sflag:s30] =	ssyncadd.s32 $0xFFFFE000  }
0x68: {  	s11 =	sand.u32 $0xFC00, s8  }
0x69: {  	s12 =	sand.u32 $0x380, s8;
	s11 =	sadd.s32 s4, s11  }
0x6a: {  	s11 =	sor.u32 s12, s11  }
0x6b: {  	s11 =	sshrl.u32 s11, $0x3  }
0x6c: {  	s11 =	sadd.s32 s6, s11  }
0x6d: {  	[tilespmem:s18], [sflag:$0x3] =	stream.linear.gather [hbm4b:s11+s3], $0x80, $0x38;
	[tilespmem:$0x1F180] =	vst v63  }
0x6e: {  	_ = 	snop  }
0x6f: {  	[spmem:s2] =	stream.indirect.scatter.add.f32 [tilespmem:s29], [sflag:$0x9], $0x80, s7, s20, $0xb8;
	[tilespmem:$0x1F180] =	vst v63  }
0x70: {  	_ =	swait.ge [sflag:s31], $0x2000  }
0x71: {  	[sflag:s31] =	ssyncset.done $0x0  }
.Ltmp6:
0x72: {  	[sflag:s31] =	ssyncadd.s32 $0xFFFFE000;
	(pc) =	sbr.rel .LBB2_2-.Ltmp6, $4  }
0x73: {  	_ =	swait.ge [sflag:s19], $0x80  }
0x74: {  	[sflag:s19] =	ssyncset.done $0x0  }
0x75: {  	s8 =	sadd.s32 $0x180, s8;
	s10 =	sadd.s32 $0x180, s10;
	[sflag:s19] =	ssyncadd.s32 $0xFFFFFF80  }
0x76: {  	[tilespmem:s21], [sflag:$0x4] =	stream.indirect.gather [hbm4b:s5+s20], $0x80, s3, s20, $0xb8;
	[tilespmem:$0x1F180] =	vst v63  }
.LBB2_9:
0x77: {  	_ =	sfence.sel $0x180000  }
0x78: {  	[bflag:$0x0] =	sbarrier.arrive $0xFFFF  }
0x79: {  	_ =	strace $0x9000004D  }
0x7a: {  	s0 =	stileid.u32;
	[bflag:$0x2] =	sbarrier.arrive $0xFFFF  }
0x7b: {  	p0 =	sne.s32 s0, $0x0;
	s0 =	rddreg [dreg:$0x2]  }
0x7c: {  	s0 =	sadd.s32 @!p0 $0x100000, s0  }
0x7d: {  	[sflag:s0] =	ssyncadd.tile.s32 @!p0 $0x1;
	_ =	shalt  }
.Lfunc_end2:
_tile_overlayer_lowered:
.L_overlay_start_2:
0x7e: {  	(tag) =	ssettag $0x2  }
0x7f: {  	s0 =	rddreg [dreg:$0x0];
	s2 =	stileid.u32  }
0x80: {  	s1 =	rddreg [dreg:$0x1];
	p0 =	sne.s32 s2, $0x0  }
0x81: {  	s3 =	rddreg [dreg:$0x2];
	[bflag:$0x3] =	sbarrier.arrive $0xFFFF;
	s2 =	simm.s32 @!p0 $0x1C0A  }
0x82: {  	[timem:s3], [sflag:s2] =	dma.local @!p0 [hbm:s0], s1  }
0x83: {  	s0 =	simm.s32 @!p0 $0xA  }
0x84: {  	_ =	swait.ge @!p0 [sflag:s0], s1  }
0x85: {  	s1 =	ssub.s32 @!p0 $0x0, s1;
	[sflag:s0] =	ssyncset.done @!p0 $0x0  }
0x86: {  	[sflag:s0] =	ssyncadd.s32 @!p0 s1  }
0x87: {  	[bflag:$0x3] =	sbarrier.arrive $0xFFFF  }
0x88: {  	_ =	shalt  }

// kernel: kernel.8.cloned.1.call-start
scs
__scs_entry_jumppad:
0x0: {  	(pc) =	sbr.rel $0x88, $3  }
0x1: {  	(tag) =	ssettag $0x0;
	lr =	simm.s32 $0x1  }
0x2: {  	[smem:$0x3F99] =	sst lr;
	_ =	strace $0xD0000000  }
0x3: {  	_ = 	snop  }
0x4: {  	_ = 	snop  }
0x5: {  	_ = 	snop  }
0x6: {  	_ = 	snop  }
0x7: {  	_ = 	snop  }
__scs_overlays_trampoline_lowered:
0x8: {  	[smem:$0x3FA8] =	sst s0  }
0x9: {  	[smem:$0x3FA9] =	sst s1  }
0xa: {  	[smem:$0x3FAA] =	sst s2  }
0xb: {  	[smem:$0x3FAB] =	sst s3  }
0xc: {  	[smem:$0x3FAC] =	sst s4  }
0xd: {  	[smem:$0x3FAD] =	sst s5  }
0xe: {  	[smem:$0x3FAE] =	sst s6  }
0xf: {  	[smem:$0x3FAF] =	sst s7  }
0x10: {  	[smem:$0x3FB0] =	sst s8  }
0x11: {  	[smem:$0x3FB1] =	sst s9;
	s0 =	simm.s32 @!p0 $0x0  }
0x12: {  	s1 =	sld [smem:$0x3F97];
	s0 =	simm.s32 @p0 $0x1  }
0x13: {  	[smem:$0x3FB2] =	sst s0;
	s0 =	simm.s32 @!p1 $0x0  }
0x14: {  	s2 =	sld [smem:$0x3F96];
	s0 =	simm.s32 @p1 $0x1  }
0x15: {  	[smem:$0x3FB3] =	sst s0;
	s0 =	simm.s32 @!p2 $0x0  }
0x16: {  	s3 =	sld [smem:$0x3FDB];
	s0 =	simm.s32 @p2 $0x1  }
0x17: {  	s4 =	simm.s32 $0x1BF5;
	[smem:$0x3FB5] =	sst s0  }
0x18: {  	s0 =	sld [smem:$0x3F98];
	_ =	swait.ge [sflag:s4], $0x0  }
0x19: {  	s7 =	sld [smem:$0x3F99]  }
0x1a: {  	s8 =	sadd.s32 $0xFFFFE003, lr  }
0x1b: {  	s9 =	sadd.s32 $0xFFFFFEF7, lr;
	s5 =	simm.s32 $0xFFFFFFFF;
	p2 =	slt.u32 s8, $0xFFFFF086  }
0x1c: {  	p1 =	slt.u32 s9, $0xF7A;
	s5 =	simm.s32 @!p2 $0x0  }
0x1d: {  	s5 =	simm.s32 @p1 $0x1;
	p0 =	seq.s32 s7, s2  }
0x1e: {  	s7 =	smul.u32 @!p0 $0xF7A, s2;
	p2 =	seq.s32 @!p0 s5, $0x0  }
0x1f: {  	s9 =	smul.u32 $0xF7A, s1;
	s8 =	simm.s32 @!p0 $0x1BF5;
	p2 =	por !p2, p0  }
0x20: {  	[sflag:s8] =	ssyncset.s32 @!p0 $0xFFFFF086;
	s6 =	sadd.s32 @!p0 s3, s7;
	s7 =	simm.s32 @!p0 $0x108  }
0x21: {  	s3 =	sadd.s32 s3, s9;
	s6 =	sadd.s32 @!p0 $0x88, s6;
	s7 =	simm.s32 @p2 $0x1082  }
0x22: {  	[simem:s7], [sflag:s8] =	dma.local @!p0 [hbm:s6], $0xF7A  }
0x23: {  	s9 =	sor.u32 $0xD0000000, s2;
	s6 =	simm.s32 $0x108;
	_ =	swait.ge @!p0 [sflag:s8], $0x0  }
0x24: {  	s3 =	sadd.s32 $0x88, s3;
	s6 =	simm.s32 @!p1 $0x1082;
	[sflag:s4] =	ssyncset.s32 $0xFFFFF086  }
0x25: {  	[simem:s6], [sflag:s4] =	dma.local [hbm:s3], $0xF7A  }
0x26: {  	[smem:$0x3F99] =	sst s1;
	(tag) =	ssettag s2;
	_ =	strace s9  }
0x27: {  	s1 =	sld [smem:$0x3FA9]  }
0x28: {  	s2 =	sld [smem:$0x3FAA]  }
0x29: {  	s4 =	sld [smem:$0x3FAC]  }
0x2a: {  	p0 =	seq.s32 s5, $0x0;
	s5 =	sld [smem:$0x3FAD]  }
0x2b: {  	s6 =	sld [smem:$0x3FAE]  }
0x2c: {  	s7 =	sld [smem:$0x3FAF]  }
0x2d: {  	s3 =	simm.s32 $0x108;
	s8 =	sld [smem:$0x3FB0]  }
0x2e: {  	s3 =	simm.s32 @!p0 $0x1082;
	s9 =	sld [smem:$0x3FB1]  }
0x2f: {  	lr =	sadd.s32 s0, s3;
	s0 =	sld [smem:$0x3FA8]  }
0x30: {  	s3 =	sld [smem:$0x3FAB]  }
0x31: {  	[smem:$0x3FB4] =	sst s10  }
0x32: {  	s10 =	sld [smem:$0x3FB2];
	_ =	sdelay $0x3  }
0x33: {  	p0 =	seq.s32 s10, $0x1;
	s10 =	sld [smem:$0x3FB4];
	_ =	sdelay $0x3  }
0x34: {  	[smem:$0x3FB4] =	sst s10  }
0x35: {  	s10 =	sld [smem:$0x3FB3];
	_ =	sdelay $0x3  }
0x36: {  	p1 =	seq.s32 s10, $0x1;
	s10 =	sld [smem:$0x3FB4];
	_ =	sdelay $0x3  }
0x37: {  	[smem:$0x3FB4] =	sst s10  }
0x38: {  	s10 =	sld [smem:$0x3FB5]  }
0x39: {  	_ = 	snop;
	(pc) =	sbr.ind lr, $3  }
0x3a: {  	_ = 	snop  }
0x3b: {  	_ = 	snop  }
0x3c: {  	p2 =	seq.s32 s10, $0x1;
	s10 =	sld [smem:$0x3FB4]  }
0x3d: {  	_ =	shalt  }
0x3e: {  	_ =	shalt  }
0x3f: {  	_ =	shalt  }
0x40: {  	_ =	shalt  }
0x41: {  	_ =	shalt  }
0x42: {  	_ =	shalt  }
0x43: {  	_ =	shalt  }
0x44: {  	_ =	shalt  }
0x45: {  	_ =	shalt  }
0x46: {  	_ =	shalt  }
0x47: {  	_ =	shalt  }
0x48: {  	_ =	shalt  }
0x49: {  	_ =	shalt  }
0x4a: {  	_ =	shalt  }
0x4b: {  	_ =	shalt  }
0x4c: {  	_ =	shalt  }
0x4d: {  	_ =	shalt  }
0x4e: {  	_ =	shalt  }
0x4f: {  	_ =	shalt  }
0x50: {  	_ =	shalt  }
0x51: {  	_ =	shalt  }
0x52: {  	_ =	shalt  }
0x53: {  	_ =	shalt  }
0x54: {  	_ =	shalt  }
0x55: {  	_ =	shalt  }
0x56: {  	_ =	shalt  }
0x57: {  	_ =	shalt  }
0x58: {  	_ =	shalt  }
0x59: {  	_ =	shalt  }
0x5a: {  	_ =	shalt  }
0x5b: {  	_ =	shalt  }
0x5c: {  	_ =	shalt  }
0x5d: {  	_ =	shalt  }
0x5e: {  	_ =	shalt  }
0x5f: {  	_ =	shalt  }
0x60: {  	_ =	shalt  }
0x61: {  	_ =	shalt  }
0x62: {  	_ =	shalt  }
0x63: {  	_ =	shalt  }
0x64: {  	_ =	shalt  }
0x65: {  	_ =	shalt  }
0x66: {  	_ =	shalt  }
0x67: {  	_ =	shalt  }
0x68: {  	_ =	shalt  }
0x69: {  	_ =	shalt  }
0x6a: {  	_ =	shalt  }
0x6b: {  	_ =	shalt  }
0x6c: {  	_ =	shalt  }
0x6d: {  	_ =	shalt  }
0x6e: {  	_ =	shalt  }
0x6f: {  	_ =	shalt  }
0x70: {  	_ =	shalt  }
0x71: {  	_ =	shalt  }
0x72: {  	_ =	shalt  }
0x73: {  	_ =	shalt  }
0x74: {  	_ =	shalt  }
0x75: {  	_ =	shalt  }
0x76: {  	_ =	shalt  }
0x77: {  	_ =	shalt  }
0x78: {  	_ =	shalt  }
0x79: {  	_ =	shalt  }
0x7a: {  	_ =	shalt  }
0x7b: {  	_ =	shalt  }
0x7c: {  	_ =	shalt  }
0x7d: {  	_ =	shalt  }
0x7e: {  	_ =	shalt  }
0x7f: {  	_ =	shalt  }
0x80: {  	_ =	shalt  }
0x81: {  	_ =	shalt  }
0x82: {  	_ =	shalt  }
0x83: {  	_ =	shalt  }
0x84: {  	_ =	shalt  }
0x85: {  	_ =	shalt  }
0x86: {  	_ =	shalt  }
0x87: {  	_ =	shalt  }
.Lfunc_end0:
.L_simem_size_0:
called_computation_lowered:
.L_overlay_start_0:
0x88: {  	s2 =	sld [smem:$0x3FD9]  }
0x89: {  	s3 =	sld [smem:$0x3FFE];
	_ =	sdelay $0x1  }
0x8a: {  	s1 =	srdreg.scid  }
0x8b: {  	s0 =	sand.u32 $0x1, s1  }
0x8c: {  	s14 =	sshll.u32 s0, $0xA;
	s2 =	sadd.s32 s3, s2  }
0x8d: {  	s2 =	sadd.s32 s2, s14  }
0x8e: {  	[smem:$0x3FC0] =	sst s2  }
0x8f: {  	_ = 	snop  }
0x90: {  	s2 =	sld [smem:$0x3FD0];
	_ =	sdelay $0x2  }
0x91: {  	s15 =	simm.s32 $0xA;
	s4 =	simm.s32 $0x10  }
0x92: {  	[smem:s4], [sflag:s15] =	dma.local [hbm:s2], $0x1  }
0x93: {  	_ =	swait.eq [sflag:s15], $0x1  }
0x94: {  	[sflag:s15] =	ssyncset.done $0x0  }
0x95: {  	[sflag:s15] =	ssyncadd.s32 $0xFFFFFFFF  }
0x96: {  	s16 =	sld [smem:$0x11];
	(tm) =	ssettm $0x1  }
0x97: {  	s17 =	sld [smem:$0x3FFB];
	_ =	sdelay $0x3  }
0x98: {  	_ =	strace s17  }
0x99: {  	s3 =	sld [smem:$0x3FFC];
	_ =	sdelay $0x3  }
0x9a: {  	_ =	strace s3  }
0x9b: {  	s3 =	sld [smem:$0x3FFD];
	_ =	sdelay $0x3  }
0x9c: {  	_ =	strace s3  }
0x9d: {  	_ =	strace $0x8FFFFFFF  }
0x9e: {  	s18 =	sld [smem:$0x3FDB];
	_ =	sdelay $0x1  }
0x9f: {  	s19 =	simm.s32 $_scs_section_size  }
0xa0: {  	s5 =	simm.s32 $_size__tile_overlayer_lowered;
	s6 =	simm.s32 $_tile_overlayer_lowered  }
0xa1: {  	s22 =	simm.s32 $0x1BFF;
	s21 =	sshll.u32 s6, $0x1;
	s3 =	sadd.s32 s19, s18  }
0xa2: {  	s7 =	simm.s32 $0x0;
	s20 =	sshll.u32 s5, $0x1;
	s5 =	sadd.s32 s21, s3  }
0xa3: {  	[timem:s7], [sflag:s22] =	dma.local [hbm:s5], s20  }
0xa4: {  	_ =	swait.ge [sflag:s22], s20  }
0xa5: {  	s4 =	ssub.s32 $0x0, s20;
	[sflag:s22] =	ssyncset.done $0x0  }
0xa6: {  	[sflag:s22] =	ssyncadd.s32 s4;
	_ =	sdelay $0x1  }
0xa7: {  	s23 =	simm.s32 $0x1B8B  }
0xa8: {  	_ =	swait.ge [sflag:s23], $0x1  }
0xa9: {  	[sflag:s23] =	ssyncset.done $0x0  }
0xaa: {  	s25 =	simm.s32 $0x1B8E;
	s24 =	sld [smem:$0x3FFE];
	[sflag:s23] =	ssyncadd.s32 $0xFFFFFFFF  }
0xab: {  	s26 =	simm.s32 $execute0_lowered;
	[smem:$0x3FD2] =	sst s25  }
0xac: {  	s5 =	sshll.u32 s26, $0x1;
	_ =	strace $0x80000046;
	[dreg:$0x1] =	wrdreg $0xFFFFFFFF  }
0xad: {  	s28 =	simm.s32 $_size_execute0_lowered;
	s3 =	sadd.s32 s3, s5;
	[dreg:$0x0] =	wrdreg $0x0  }
0xae: {  	s5 =	sshll.u32 s28, $0x1;
	[dreg:$0x2] =	wrdreg s3  }
0xaf: {  	[dreg:$0x3] =	wrdreg s5  }
0xb0: {  	[dreg:$0x4] =	wrdreg $0xC0  }
0xb1: {  	_ =	task [dreg:s7], $0x5FFFF  }
0xb2: {  	[dreg:$0x1] =	wrdreg $0xFFFFFFFF  }
0xb3: {  	[dreg:$0x0] =	wrdreg $0x60  }
0xb4: {  	[dreg:$0x2] =	wrdreg s24  }
0xb5: {  	[dreg:$0x3] =	wrdreg s16  }
0xb6: {  	[dreg:$0x4] =	wrdreg $0x70000  }
0xb7: {  	[dreg:$0x5] =	wrdreg $0x9  }
0xb8: {  	_ =	task.clear_ibuf [dreg:s7], $0x6FFFF;
	_ =	strace $0x90000046  }
0xb9: {  	s29 =	simm.s32 $0x9;
	_ =	strace $0x80000048  }
0xba: {  	_ =	swait.ge [sflag:s29], $0x1  }
0xbb: {  	[sflag:s29] =	ssyncadd.s32 $0xFFFFFFFF  }
0xbc: {  	_ =	strace $0x90000048  }
0xbd: {  	_ =	sfence  }
0xbe: {  	s30 =	sld [smem:$0x0];
	_ =	sdelay $0x2  }
0xbf: {  	s31 =	sshll.u32 s1, $0xD;
	s1 =	sshrl.u32 s1, $0x2  }
0xc0: {  	s3 =	sand.u32 $0x4000, s31;
	s1 =	sadd.s32 s1, s30  }
0xc1: {  	s0 =	sor.u32 s3, s0;
	s1 =	sshll.u32 s1, $0x11  }
0xc2: {  	s0 =	sor.u32 s1, s0  }
0xc3: {  	s0 =	sadd.s32 $0x8F2B, s0  }
0xc4: {  	[sflag:s0] =	ssyncadd.remote.s32 $0x1  }
0xc5: {  	_ =	sfence.sel $0xFFFF  }
0xc6: {  	[dreg:$0x0] =	wrdreg $0xFFFFFFFF;
	(pc) =	sbr.abs _section_cstart, $3  }
0xc7: {  	[dreg:$0x1] =	wrdreg $0xFFFFFFFF  }
0xc8: {  	_ =	task.clear_ibuf [dreg:s7], $0x2FFFF;
	_ =	strace $0x9FFFFFFF  }
0xc9: {  	(tm) =	ssettm $0x7FFFFFFF  }
tec
execute0_lowered:
.L_overlay_start_1:
0x0: {  	(tag) =	ssettag $0x1  }
0x1: {  	s5 =	rddreg [dreg:$0x0]  }
0x2: {  	s1 =	srdreg.scid;
	s2 =	rddreg [dreg:$0x1]  }
0x3: {  	s0 =	stileid.u32;
	s3 =	rddreg [dreg:$0x2]  }
0x4: {  	s4 =	simm.s32 $0x0;
	s13 =	simm.s32 $0x40;
	s14 =	simm.s32 $0x0  }
0x5: {  	s6 =	sand.u32 $0x1, s1;
	s28 =	sshll.u32 s0, $0x1;
	s8 =	smul.u32 $0x14000, s0  }
0x6: {  	[smem:$0x7FF] =	sst s4;
	s29 =	smul.u32 $0x50000, s0;
	s31 =	sshll.u32 s0, $0x6  }
0x7: {  	s1 =	sor.u32 s6, s28;
	s9 =	smul.u32 $0x140000, s6;
	s6 =	ssub.s32 $0x2, s6  }
0x8: {  	s7 =	smul.u32 $0xA00, s1;
	s1 =	rddreg [dreg:$0x3];
	_ =	strace $0x80000047  }
0x9: {  	s10 =	sshrl.u32 s8, $0x3;
	s11 =	sshrl.u32 s6, $0x1;
	s30 =	sshrl.u32 s29, $0x2  }
0xa: {  	s8 =	sadd.s32 s8, s9;
	s10 =	sadd.s32 s10, s5;
	s11 =	ssub.s32 s6, s11  }
0xb: {  	s12 =	sadd.s32 s30, s3;
	s9 =	simm.s32 $0x1;
	s7 =	sadd.s32 s7, s5  }
0xc: {  	s8 =	sshrl.u32 s8, $0x3;
	s6 =	sadd.s32 $0x16400, s10;
	s10 =	simm.s32 $0x5000  }
0xd: {  	s12 =	sshrl.u32 s12, $0x3;
	s8 =	sadd.s32 s8, s5;
	s5 =	sadd.s32 $0x2400, s7  }
0xe: {  	s7 =	sadd.s32 $0x3E400, s8;
	s8 =	smax.u32 s11, $0x1;
	s11 =	sor.u32 $0x1C01, s31  }
.LBB2_1:
0xf: {  	[tilespmem:s4], [sflag:$0x1] =	stream.linear.gather [hbm4b:s5+s4], $0x4F80, $0x38;
	[tilespmem:$0x1B000] =	vst v63  }
0x10: {  	_ =	swait.ge [sflag:s9], $0x4F80  }
0x11: {  	[sflag:s9] =	ssyncset.done $0x0  }
0x12: {  	[sflag:s9] =	ssyncadd.s32 $0xFFFFB080  }
0x13: {  	[tilespmem:s10], [sflag:$0x1] =	stream.linear.gather [hbm4b:s2+s4], $0x2000, $0x38;
	[tilespmem:$0x1B000] =	vst v63  }
0x14: {  	_ =	swait.ge [sflag:s9], $0x2000  }
0x15: {  	[sflag:s9] =	ssyncset.done $0x0  }
0x16: {  	[sflag:s9] =	ssyncadd.s32 $0xFFFFE000  }
0x17: {  	[spmem:s12], [sflag:s11] =	dma.local [hbm:s6], $0x2800  }
0x18: {  	_ =	swait.ge [sflag:s9], $0x2800  }
0x19: {  	[sflag:s9] =	ssyncset.done $0x0  }
0x1a: {  	[sflag:s9] =	ssyncadd.s32 $0xFFFFD800  }
0x1b: {  	s15 =	simm.s32 $0x0;
	[bflag:$0x0] =	sbarrier.arrive $0xFFFF  }
0x1c: {  	[spmem:s3] =	stream.indirect.scatter.add.f32 [tilespmem:s10], [sflag:$0x1], $0x80, s15, s13, $0xb8;
	[tilespmem:$0x1B000] =	vst v63  }
0x1d: {  	_ =	swait.ge [sflag:s9], $0x2000  }
0x1e: {  	s15 =	simm.s32 $0x200;
	[sflag:s9] =	ssyncset.done $0x0  }
.LBB2_2:
0x1f: {  	s16 =	sshra.s32 s15, $0x2;
	[sflag:s9] =	ssyncadd.s32 $0xFFFFE000;
	p0 =	sne.s32 s15, $0x13C00  }
0x20: {  	[spmem:s3] =	stream.indirect.scatter.add.f32 [tilespmem:s10], [sflag:$0x1], $0x80, s16, s13, $0xb8;
	[tilespmem:$0x1B000] =	vst v63  }
.Ltmp0:
0x21: {  	_ = 	snop;
	(pc) =	sbr.rel @p0 .LBB2_2-.Ltmp0, $4  }
0x22: {  	_ = 	snop  }
0x23: {  	s15 =	sadd.s32 $0x200, s15  }
0x24: {  	_ =	swait.ge [sflag:s9], $0x2000  }
0x25: {  	[sflag:s9] =	ssyncset.done $0x0  }
0x26: {  	s14 =	sadd.s32 $0x1, s14  }
0x27: {  	[sflag:s9] =	ssyncadd.s32 $0xFFFFE000;
	p0 =	sne.s32 s14, s8  }
.Ltmp1:
0x28: {  	[bflag:$0x0] =	sbarrier.arrive $0xFFFF;
	(pc) =	sbr.rel @p0 .LBB2_1-.Ltmp1, $4  }
0x29: {  	[hbm:s7], [sflag:s11] =	dma.local [spmem:s12], $0x2800  }
0x2a: {  	_ =	swait.ge [sflag:s9], $0x2800  }
0x2b: {  	[sflag:s9] =	ssyncset.done $0x0  }
0x2c: {  	[sflag:s9] =	ssyncadd.s32 $0xFFFFD800  }
0x2d: {  	_ =	sfence.sel $0x180000  }
0x2e: {  	[bflag:$0x0] =	sbarrier.arrive $0xFFFF  }
0x2f: {  	p0 =	sne.s32 s0, $0x0;
	_ =	strace $0x90000047  }
0x30: {  	s0 =	sadd.s32 @!p0 $0x100000, s1;
	[bflag:$0x2] =	sbarrier.arrive $0xFFFF  }
0x31: {  	[sflag:s0] =	ssyncadd.tile.s32 @!p0 $0x1;
	_ =	shalt  }
.Lfunc_end2:
_tile_overlayer_lowered:
.L_overlay_start_2:
0x32: {  	(tag) =	ssettag $0x2  }
0x33: {  	s0 =	rddreg [dreg:$0x0];
	s2 =	stileid.u32  }
0x34: {  	s1 =	rddreg [dreg:$0x1];
	p0 =	sne.s32 s2, $0x0  }
0x35: {  	s3 =	rddreg [dreg:$0x2];
	[bflag:$0x3] =	sbarrier.arrive $0xFFFF;
	s2 =	simm.s32 @!p0 $0x1C01  }
0x36: {  	[timem:s3], [sflag:s2] =	dma.local @!p0 [hbm:s0], s1  }
0x37: {  	s0 =	simm.s32 @!p0 $0x1  }
0x38: {  	_ =	swait.ge @!p0 [sflag:s0], s1  }
0x39: {  	s1 =	ssub.s32 @!p0 $0x0, s1;
	[sflag:s0] =	ssyncset.done @!p0 $0x0  }
0x3a: {  	[sflag:s0] =	ssyncadd.s32 @!p0 s1  }
0x3b: {  	[bflag:$0x3] =	sbarrier.arrive $0xFFFF  }
0x3c: {  	_ =	shalt  }

</sc_bundles>
